<compile_context>
chip_gen: v7x
topology: tpu7x:2x2x1
jax: 0.10.2.dev20260603
libtpu: 0.0.44.dev20260713+nightly
codegen_flags: <defaults>
</compile_context>

<pallas_src>
import functools

import jax
import jax.numpy as jnp
from jax import lax
from jax.experimental import pallas as pl
from jax.experimental.pallas import tpu as pltpu
from jax.experimental.pallas import tpu_sc as plsc

N = 8192
K = 256
M = 8192
BR = 2048
BC = 1024
R = N // BR
C = M // BC
NW = 32
RPW = N // NW


def _argmin_body(x_ref, cb_ref, xsq_ref, out_ref,
                 best_val, best_idx, gidx_ref):
    c = pl.program_id(1)
    cb = cb_ref[...]
    cbsq = jnp.sum(jnp.square(cb), 0, keepdims=True)

    xb = (x_ref[...] * -2.0).astype(jnp.bfloat16)
    cbb = cb.astype(jnp.bfloat16)
    nm = jnp.dot(xb, cbb, preferred_element_type=jnp.float32)
    xsq = xsq_ref[...]

    G = BC // 128
    def dgrp(g):
        lo, hi = g * 128, (g + 1) * 128
        return (xsq + nm[:, lo:hi]) + cbsq[:, lo:hi]
    d0 = dgrp(0)
    d1 = dgrp(1)
    runidx = jnp.where(d1 < d0, 1, 0)
    runmin = jnp.minimum(d1, d0)
    for g in range(2, G):
        dg = dgrp(g)
        lt = dg < runmin
        runmin = jnp.where(lt, dg, runmin)
        runidx = jnp.where(lt, g, runidx)
    dmin = jnp.min(runmin, axis=1, keepdims=True)
    lanes = lax.broadcasted_iota(jnp.int32, (BR, 128), 1)
    cand = jnp.where(runmin == dmin, runidx * 128 + lanes, BC)
    gidx_ref[...] = jnp.min(cand, axis=1, keepdims=True) + c * BC

    @pl.when(c == 0)
    def _():
        best_val[...] = dmin
        best_idx[...] = gidx_ref[...]

    @pl.when(c > 0)
    def _():
        upd = dmin < best_val[...]
        best_val[...] = jnp.where(upd, dmin, best_val[...])
        best_idx[...] = jnp.where(upd, gidx_ref[...], best_idx[...])

    @pl.when(c == C - 1)
    def _():
        out_ref[...] = best_idx[...]


_argmin_call = pl.pallas_call(
    _argmin_body,
    grid=(R, C),
    in_specs=[
        pl.BlockSpec((BR, K), lambda r, c: (r, 0)),
        pl.BlockSpec((K, BC), lambda r, c: (0, c)),
        pl.BlockSpec((BR, 1), lambda r, c: (r, 0)),
    ],
    out_specs=pl.BlockSpec((BR, 1), lambda r, c: (r, 0)),
    out_shape=jax.ShapeDtypeStruct((N, 1), jnp.int32),
    scratch_shapes=[
        pltpu.VMEM((BR, 1), jnp.float32),
        pltpu.VMEM((BR, 1), jnp.int32),
        pltpu.VMEM((BR, 1), jnp.int32),
    ],
)


def _sc_gather_hist_body(ct_hbm, idx_hbm, q_hbm, counts_hbm,
                         idx_v, rows_v, ones_v, zeros_v, shared_counts, sem):
    core = lax.axis_index("c")
    sub = lax.axis_index("s")
    wid = sub * 2 + core
    base = wid * RPW

    for j in range(RPW // 16):
        ones_v[pl.ds(j * 16, 16)] = jnp.full((16,), 1.0, jnp.float32)
    for j in range(512 // 16):
        zeros_v[pl.ds(j * 16, 16)] = jnp.zeros((16,), jnp.float32)

    pltpu.sync_copy(idx_hbm.at[pl.ds(base, RPW)], idx_v)
    pltpu.async_copy(ct_hbm.at[idx_v], rows_v, sem).wait()
    pltpu.sync_copy(rows_v, q_hbm.at[pl.ds(base, RPW)])

    pltpu.sync_copy(zeros_v, shared_counts.at[pl.ds(sub * 512, 512)])
    plsc.subcore_barrier()
    pltpu.sync_copy(ones_v, shared_counts.at[idx_v], add=True)
    plsc.subcore_barrier()

    @pl.when(sub == 0)
    def _():
        pltpu.sync_copy(shared_counts, counts_hbm.at[core])


@functools.cache
def _sc_gather_hist():
    return pl.kernel(
        _sc_gather_hist_body,
        out_type=[
            jax.ShapeDtypeStruct((N, K), jnp.float32),
            jax.ShapeDtypeStruct((2, M), jnp.float32),
        ],
        mesh=plsc.VectorSubcoreMesh(core_axis_name="c", subcore_axis_name="s"),
        scratch_types=[
            pltpu.VMEM((RPW,), jnp.int32),
            pltpu.VMEM((RPW, K), jnp.float32),
            pltpu.VMEM((RPW,), jnp.float32),
            pltpu.VMEM((512,), jnp.float32),
            pltpu.VMEM_SHARED((M,), jnp.float32),
            pltpu.SemaphoreType.DMA,
        ],
    )

FB = N // 8


def _finalize_body(x_ref, q_ref, counts_ref, ste_ref, loss_ref, perp_ref, acc):
    i = pl.program_id(0)
    x = x_ref[...]
    diff = q_ref[...] - x
    ste_ref[...] = x + diff
    part = jnp.sum(diff * diff)

    @pl.when(i == 0)
    def _():
        acc[0, 0] = part

    @pl.when(i > 0)
    def _():
        acc[0, 0] = acc[0, 0] + part

    @pl.when(i == 7)
    def _():
        loss_ref[...] = jnp.reshape(acc[0, 0] / 2097152.0, (1, 1))
        counts = counts_ref[0:1, :] + counts_ref[1:2, :]
        avg = counts * (1.0 / 8192.0)
        ent = jnp.sum(avg * jnp.log(avg + 1e-10))
        perp_ref[...] = jnp.reshape(jnp.exp(-ent), (1, 1))


_finalize_call = pl.pallas_call(
    _finalize_body,
    grid=(8,),
    in_specs=[
        pl.BlockSpec((FB, K), lambda i: (i, 0)),
        pl.BlockSpec((FB, K), lambda i: (i, 0)),
        pl.BlockSpec((2, M), lambda i: (0, 0)),
    ],
    out_specs=[
        pl.BlockSpec((FB, K), lambda i: (i, 0)),
        pl.BlockSpec((1, 1), lambda i: (0, 0)),
        pl.BlockSpec((1, 1), lambda i: (0, 0)),
    ],
    out_shape=[
        jax.ShapeDtypeStruct((N, K), jnp.float32),
        jax.ShapeDtypeStruct((1, 1), jnp.float32),
        jax.ShapeDtypeStruct((1, 1), jnp.float32),
    ],
    scratch_shapes=[pltpu.SMEM((1, 1), jnp.float32)],
)


def kernel(inputs, codebook):
    x = inputs.reshape(N, K)
    xsq = jnp.sum(jnp.square(inputs), 2).reshape(N, 1)
    idx = _argmin_call(x, codebook, xsq).reshape(N)
    ct = codebook.T
    q, counts = _sc_gather_hist()(ct, idx)
    ste, loss, perp = _finalize_call(x, q, counts)
    loss0 = loss[0, 0]
    return (ste.reshape(inputs.shape), perp[0, 0], loss0, 0.25 * loss0)

# --- scband reference (transcript-rebuilt; emitter-appended) ---
"""Pipeline reference for scband-vector-quantizer-82815559401688 (READ-ONLY COPY).

The authoritative reference and input builder live on the scoring server;
editing this copy changes nothing except your own understanding.
"""

import jax, jax.numpy as jnp
import numpy as np

NUM_EMBEDDINGS = 8192
EMBEDDING_DIM = 256
COMMITMENT_COST = 0.25


def setup_inputs(seed: int = 0) -> dict:
    key = jax.random.key(seed)
    k1, k2 = jax.random.split(key)
    inputs = jax.random.normal(k1, (8, 1024, EMBEDDING_DIM), dtype=jnp.float32)
    # lecun_uniform init for codebook of shape (embedding_dim, num_embeddings): fan_in = embedding_dim
    limit = float(np.sqrt(3.0 / EMBEDDING_DIM))
    codebook = jax.random.uniform(k2, (EMBEDDING_DIM, NUM_EMBEDDINGS), minval=-limit, maxval=limit, dtype=jnp.float32)
    return {"inputs": inputs, "codebook": codebook}


def reference(inputs, codebook):
    # calculate_distances
    flat_inputs = jnp.reshape(inputs, (-1, EMBEDDING_DIM))
    distances = (
        jnp.sum(jnp.square(flat_inputs), 1, keepdims=True)
        - 2 * jnp.matmul(flat_inputs, codebook)
        + jnp.sum(jnp.square(codebook), 0, keepdims=True)
    )
    # get_closest_codebook_indices
    encoding_indices = jnp.argmin(distances, 1)
    # quantize
    flat_quantized = jnp.take(codebook, encoding_indices, axis=1).swapaxes(1, 0)
    quantized = jnp.reshape(flat_quantized, inputs.shape)
    # compute_losses
    codebook_loss = jnp.mean(jnp.square(quantized - jax.lax.stop_gradient(inputs)))
    commitment_loss = COMMITMENT_COST * jnp.mean(jnp.square(jax.lax.stop_gradient(quantized) - inputs))
    # calculate_perplexity
    encodings = jax.nn.one_hot(encoding_indices, NUM_EMBEDDINGS)
    avg_probs = jnp.mean(encodings, 0)
    perplexity = jnp.exp(-jnp.sum(avg_probs * jnp.log(avg_probs + 1e-10)))
    # straight-through estimator
    ste = inputs + jax.lax.stop_gradient(quantized - inputs)
    return (ste, perplexity, codebook_loss, commitment_loss)

if __name__ == "__main__":
    import jax
    _d = setup_inputs()
    print(jax.jit(kernel)(*tuple(_d.values())))

</pallas_src>

<mosaic_0001>
#map = affine_map<(d0, d1) -> (0, 0)>
#map1 = affine_map<(d0, d1) -> (0)>
module attributes {stable_mosaic.version = 14 : i64} {
  func.func @_sc_gather_hist_body(%arg0: i32, %arg1: i32, %arg2: memref<8192x256xf32, #tpu.memory_space<hbm>>, %arg3: memref<8192xi32, #tpu.memory_space<hbm>>, %arg4: memref<8192x256xf32, #tpu.memory_space<hbm>>, %arg5: memref<2x8192xf32, #tpu.memory_space<hbm>>, %arg6: memref<256xi32, #tpu.memory_space<vmem>>, %arg7: memref<256x256xf32, #tpu.memory_space<vmem>>, %arg8: memref<256xf32, #tpu.memory_space<vmem>>, %arg9: memref<512xf32, #tpu.memory_space<vmem>>, %arg10: memref<8192xf32, #tpu.memory_space<vmem_shared>>, %arg11: memref<!tpu.dma_semaphore, #tpu.memory_space<semaphore_mem>>) attributes {dimension_semantics = [#tpu.dimension_semantics<core_parallel>, #tpu.dimension_semantics<subcore_parallel>], iteration_bounds = array<i64: 2, 16>, scalar_prefetch = 0 : i64, scratch_operands = 6 : i64, tpu.core_type = #tpu.core_type<sc_vector_subcore>, window_params = [{transform_indices = #map}, {transform_indices = #map1}, {transform_indices = #map}, {transform_indices = #map}]} {
    %mul3A = arith.constant 2 : i32
    %mul3A_0 = arith.muli %arg1, %mul3A : i32
    %add3A = arith.addi %mul3A_0, %arg0 : i32
    %mul3A_1 = arith.constant 256 : i32
    %mul3A_2 = arith.muli %add3A, %mul3A_1 : i32
    %broadcast_in_dim3A = arith.constant 1.000000e+00 : f32
    %broadcast_in_dim3A_3 = vector.broadcast %broadcast_in_dim3A : f32 to vector<16xf32>
    %swap3A = arith.constant 0 : index
    %swap3A_4 = tpu.vector_load %arg8[%swap3A] {strides = array<i32>} : memref<256xf32, #tpu.memory_space<vmem>>, vector<16xf32>,
    %swap3A_5 = vector.shape_cast %swap3A_4 : vector<16xf32> to vector<16xf32>
    %swap3A_6 = vector.shape_cast %broadcast_in_dim3A_3 : vector<16xf32> to vector<16xf32>
    tpu.vector_store %arg8[%swap3A], %swap3A_6 {strides = array<i32>} : memref<256xf32, #tpu.memory_space<vmem>>, vector<16xf32>,
    %broadcast_in_dim3A_7 = arith.constant 1.000000e+00 : f32
    %broadcast_in_dim3A_8 = vector.broadcast %broadcast_in_dim3A_7 : f32 to vector<16xf32>
    %swap3A_9 = arith.constant 16 : index
    %swap3A_10 = tpu.vector_load %arg8[%swap3A_9] {strides = array<i32>} : memref<256xf32, #tpu.memory_space<vmem>>, vector<16xf32>,
    %swap3A_11 = vector.shape_cast %swap3A_10 : vector<16xf32> to vector<16xf32>
    %swap3A_12 = vector.shape_cast %broadcast_in_dim3A_8 : vector<16xf32> to vector<16xf32>
    tpu.vector_store %arg8[%swap3A_9], %swap3A_12 {strides = array<i32>} : memref<256xf32, #tpu.memory_space<vmem>>, vector<16xf32>,
    %broadcast_in_dim3A_13 = arith.constant 1.000000e+00 : f32
    %broadcast_in_dim3A_14 = vector.broadcast %broadcast_in_dim3A_13 : f32 to vector<16xf32>
    %swap3A_15 = arith.constant 32 : index
    %swap3A_16 = tpu.vector_load %arg8[%swap3A_15] {strides = array<i32>} : memref<256xf32, #tpu.memory_space<vmem>>, vector<16xf32>,
    %swap3A_17 = vector.shape_cast %swap3A_16 : vector<16xf32> to vector<16xf32>
    %swap3A_18 = vector.shape_cast %broadcast_in_dim3A_14 : vector<16xf32> to vector<16xf32>
    tpu.vector_store %arg8[%swap3A_15], %swap3A_18 {strides = array<i32>} : memref<256xf32, #tpu.memory_space<vmem>>, vector<16xf32>,
    %broadcast_in_dim3A_19 = arith.constant 1.000000e+00 : f32
    %broadcast_in_dim3A_20 = vector.broadcast %broadcast_in_dim3A_19 : f32 to vector<16xf32>
    %swap3A_21 = arith.constant 48 : index
    %swap3A_22 = tpu.vector_load %arg8[%swap3A_21] {strides = array<i32>} : memref<256xf32, #tpu.memory_space<vmem>>, vector<16xf32>,
    %swap3A_23 = vector.shape_cast %swap3A_22 : vector<16xf32> to vector<16xf32>
    %swap3A_24 = vector.shape_cast %broadcast_in_dim3A_20 : vector<16xf32> to vector<16xf32>
    tpu.vector_store %arg8[%swap3A_21], %swap3A_24 {strides = array<i32>} : memref<256xf32, #tpu.memory_space<vmem>>, vector<16xf32>,
    %broadcast_in_dim3A_25 = arith.constant 1.000000e+00 : f32
    %broadcast_in_dim3A_26 = vector.broadcast %broadcast_in_dim3A_25 : f32 to vector<16xf32>
    %swap3A_27 = arith.constant 64 : index
    %swap3A_28 = tpu.vector_load %arg8[%swap3A_27] {strides = array<i32>} : memref<256xf32, #tpu.memory_space<vmem>>, vector<16xf32>,
    %swap3A_29 = vector.shape_cast %swap3A_28 : vector<16xf32> to vector<16xf32>
    %swap3A_30 = vector.shape_cast %broadcast_in_dim3A_26 : vector<16xf32> to vector<16xf32>
    tpu.vector_store %arg8[%swap3A_27], %swap3A_30 {strides = array<i32>} : memref<256xf32, #tpu.memory_space<vmem>>, vector<16xf32>,
    %broadcast_in_dim3A_31 = arith.constant 1.000000e+00 : f32
    %broadcast_in_dim3A_32 = vector.broadcast %broadcast_in_dim3A_31 : f32 to vector<16xf32>
    %swap3A_33 = arith.constant 80 : index
    %swap3A_34 = tpu.vector_load %arg8[%swap3A_33] {strides = array<i32>} : memref<256xf32, #tpu.memory_space<vmem>>, vector<16xf32>,
    %swap3A_35 = vector.shape_cast %swap3A_34 : vector<16xf32> to vector<16xf32>
    %swap3A_36 = vector.shape_cast %broadcast_in_dim3A_32 : vector<16xf32> to vector<16xf32>
    tpu.vector_store %arg8[%swap3A_33], %swap3A_36 {strides = array<i32>} : memref<256xf32, #tpu.memory_space<vmem>>, vector<16xf32>,
    %broadcast_in_dim3A_37 = arith.constant 1.000000e+00 : f32
    %broadcast_in_dim3A_38 = vector.broadcast %broadcast_in_dim3A_37 : f32 to vector<16xf32>
    %swap3A_39 = arith.constant 96 : index
    %swap3A_40 = tpu.vector_load %arg8[%swap3A_39] {strides = array<i32>} : memref<256xf32, #tpu.memory_space<vmem>>, vector<16xf32>,
    %swap3A_41 = vector.shape_cast %swap3A_40 : vector<16xf32> to vector<16xf32>
    %swap3A_42 = vector.shape_cast %broadcast_in_dim3A_38 : vector<16xf32> to vector<16xf32>
    tpu.vector_store %arg8[%swap3A_39], %swap3A_42 {strides = array<i32>} : memref<256xf32, #tpu.memory_space<vmem>>, vector<16xf32>,
    %broadcast_in_dim3A_43 = arith.constant 1.000000e+00 : f32
    %broadcast_in_dim3A_44 = vector.broadcast %broadcast_in_dim3A_43 : f32 to vector<16xf32>
    %swap3A_45 = arith.constant 112 : index
    %swap3A_46 = tpu.vector_load %arg8[%swap3A_45] {strides = array<i32>} : memref<256xf32, #tpu.memory_space<vmem>>, vector<16xf32>,
    %swap3A_47 = vector.shape_cast %swap3A_46 : vector<16xf32> to vector<16xf32>
    %swap3A_48 = vector.shape_cast %broadcast_in_dim3A_44 : vector<16xf32> to vector<16xf32>
    tpu.vector_store %arg8[%swap3A_45], %swap3A_48 {strides = array<i32>} : memref<256xf32, #tpu.memory_space<vmem>>, vector<16xf32>,
    %broadcast_in_dim3A_49 = arith.constant 1.000000e+00 : f32
    %broadcast_in_dim3A_50 = vector.broadcast %broadcast_in_dim3A_49 : f32 to vector<16xf32>
    %swap3A_51 = arith.constant 128 : index
    %swap3A_52 = tpu.vector_load %arg8[%swap3A_51] {strides = array<i32>} : memref<256xf32, #tpu.memory_space<vmem>>, vector<16xf32>,
    %swap3A_53 = vector.shape_cast %swap3A_52 : vector<16xf32> to vector<16xf32>
    %swap3A_54 = vector.shape_cast %broadcast_in_dim3A_50 : vector<16xf32> to vector<16xf32>
    tpu.vector_store %arg8[%swap3A_51], %swap3A_54 {strides = array<i32>} : memref<256xf32, #tpu.memory_space<vmem>>, vector<16xf32>,
    %broadcast_in_dim3A_55 = arith.constant 1.000000e+00 : f32
    %broadcast_in_dim3A_56 = vector.broadcast %broadcast_in_dim3A_55 : f32 to vector<16xf32>
    %swap3A_57 = arith.constant 144 : index
    %swap3A_58 = tpu.vector_load %arg8[%swap3A_57] {strides = array<i32>} : memref<256xf32, #tpu.memory_space<vmem>>, vector<16xf32>,
    %swap3A_59 = vector.shape_cast %swap3A_58 : vector<16xf32> to vector<16xf32>
    %swap3A_60 = vector.shape_cast %broadcast_in_dim3A_56 : vector<16xf32> to vector<16xf32>
    tpu.vector_store %arg8[%swap3A_57], %swap3A_60 {strides = array<i32>} : memref<256xf32, #tpu.memory_space<vmem>>, vector<16xf32>,
    %broadcast_in_dim3A_61 = arith.constant 1.000000e+00 : f32
    %broadcast_in_dim3A_62 = vector.broadcast %broadcast_in_dim3A_61 : f32 to vector<16xf32>
    %swap3A_63 = arith.constant 160 : index
    %swap3A_64 = tpu.vector_load %arg8[%swap3A_63] {strides = array<i32>} : memref<256xf32, #tpu.memory_space<vmem>>, vector<16xf32>,
    %swap3A_65 = vector.shape_cast %swap3A_64 : vector<16xf32> to vector<16xf32>
    %swap3A_66 = vector.shape_cast %broadcast_in_dim3A_62 : vector<16xf32> to vector<16xf32>
    tpu.vector_store %arg8[%swap3A_63], %swap3A_66 {strides = array<i32>} : memref<256xf32, #tpu.memory_space<vmem>>, vector<16xf32>,
    %broadcast_in_dim3A_67 = arith.constant 1.000000e+00 : f32
    %broadcast_in_dim3A_68 = vector.broadcast %broadcast_in_dim3A_67 : f32 to vector<16xf32>
    %swap3A_69 = arith.constant 176 : index
    %swap3A_70 = tpu.vector_load %arg8[%swap3A_69] {strides = array<i32>} : memref<256xf32, #tpu.memory_space<vmem>>, vector<16xf32>,
    %swap3A_71 = vector.shape_cast %swap3A_70 : vector<16xf32> to vector<16xf32>
    %swap3A_72 = vector.shape_cast %broadcast_in_dim3A_68 : vector<16xf32> to vector<16xf32>
    tpu.vector_store %arg8[%swap3A_69], %swap3A_72 {strides = array<i32>} : memref<256xf32, #tpu.memory_space<vmem>>, vector<16xf32>,
    %broadcast_in_dim3A_73 = arith.constant 1.000000e+00 : f32
    %broadcast_in_dim3A_74 = vector.broadcast %broadcast_in_dim3A_73 : f32 to vector<16xf32>
    %swap3A_75 = arith.constant 192 : index
    %swap3A_76 = tpu.vector_load %arg8[%swap3A_75] {strides = array<i32>} : memref<256xf32, #tpu.memory_space<vmem>>, vector<16xf32>,
    %swap3A_77 = vector.shape_cast %swap3A_76 : vector<16xf32> to vector<16xf32>
    %swap3A_78 = vector.shape_cast %broadcast_in_dim3A_74 : vector<16xf32> to vector<16xf32>
    tpu.vector_store %arg8[%swap3A_75], %swap3A_78 {strides = array<i32>} : memref<256xf32, #tpu.memory_space<vmem>>, vector<16xf32>,
    %broadcast_in_dim3A_79 = arith.constant 1.000000e+00 : f32
    %broadcast_in_dim3A_80 = vector.broadcast %broadcast_in_dim3A_79 : f32 to vector<16xf32>
    %swap3A_81 = arith.constant 208 : index
    %swap3A_82 = tpu.vector_load %arg8[%swap3A_81] {strides = array<i32>} : memref<256xf32, #tpu.memory_space<vmem>>, vector<16xf32>,
    %swap3A_83 = vector.shape_cast %swap3A_82 : vector<16xf32> to vector<16xf32>
    %swap3A_84 = vector.shape_cast %broadcast_in_dim3A_80 : vector<16xf32> to vector<16xf32>
    tpu.vector_store %arg8[%swap3A_81], %swap3A_84 {strides = array<i32>} : memref<256xf32, #tpu.memory_space<vmem>>, vector<16xf32>,
    %broadcast_in_dim3A_85 = arith.constant 1.000000e+00 : f32
    %broadcast_in_dim3A_86 = vector.broadcast %broadcast_in_dim3A_85 : f32 to vector<16xf32>
    %swap3A_87 = arith.constant 224 : index
    %swap3A_88 = tpu.vector_load %arg8[%swap3A_87] {strides = array<i32>} : memref<256xf32, #tpu.memory_space<vmem>>, vector<16xf32>,
    %swap3A_89 = vector.shape_cast %swap3A_88 : vector<16xf32> to vector<16xf32>
    %swap3A_90 = vector.shape_cast %broadcast_in_dim3A_86 : vector<16xf32> to vector<16xf32>
    tpu.vector_store %arg8[%swap3A_87], %swap3A_90 {strides = array<i32>} : memref<256xf32, #tpu.memory_space<vmem>>, vector<16xf32>,
    %broadcast_in_dim3A_91 = arith.constant 1.000000e+00 : f32
    %broadcast_in_dim3A_92 = vector.broadcast %broadcast_in_dim3A_91 : f32 to vector<16xf32>
    %swap3A_93 = arith.constant 240 : index
    %swap3A_94 = tpu.vector_load %arg8[%swap3A_93] {strides = array<i32>} : memref<256xf32, #tpu.memory_space<vmem>>, vector<16xf32>,
    %swap3A_95 = vector.shape_cast %swap3A_94 : vector<16xf32> to vector<16xf32>
    %swap3A_96 = vector.shape_cast %broadcast_in_dim3A_92 : vector<16xf32> to vector<16xf32>
    tpu.vector_store %arg8[%swap3A_93], %swap3A_96 {strides = array<i32>} : memref<256xf32, #tpu.memory_space<vmem>>, vector<16xf32>,
    %broadcast_in_dim3A_97 = arith.constant 0.000000e+00 : f32
    %broadcast_in_dim3A_98 = vector.broadcast %broadcast_in_dim3A_97 : f32 to vector<16xf32>
    %swap3A_99 = arith.constant 0 : index
    %swap3A_100 = tpu.vector_load %arg9[%swap3A_99] {strides = array<i32>} : memref<512xf32, #tpu.memory_space<vmem>>, vector<16xf32>,
    %swap3A_101 = vector.shape_cast %swap3A_100 : vector<16xf32> to vector<16xf32>
    %swap3A_102 = vector.shape_cast %broadcast_in_dim3A_98 : vector<16xf32> to vector<16xf32>
    tpu.vector_store %arg9[%swap3A_99], %swap3A_102 {strides = array<i32>} : memref<512xf32, #tpu.memory_space<vmem>>, vector<16xf32>,
    %broadcast_in_dim3A_103 = arith.constant 0.000000e+00 : f32
    %broadcast_in_dim3A_104 = vector.broadcast %broadcast_in_dim3A_103 : f32 to vector<16xf32>
    %swap3A_105 = arith.constant 16 : index
    %swap3A_106 = tpu.vector_load %arg9[%swap3A_105] {strides = array<i32>} : memref<512xf32, #tpu.memory_space<vmem>>, vector<16xf32>,
    %swap3A_107 = vector.shape_cast %swap3A_106 : vector<16xf32> to vector<16xf32>
    %swap3A_108 = vector.shape_cast %broadcast_in_dim3A_104 : vector<16xf32> to vector<16xf32>
    tpu.vector_store %arg9[%swap3A_105], %swap3A_108 {strides = array<i32>} : memref<512xf32, #tpu.memory_space<vmem>>, vector<16xf32>,
    %broadcast_in_dim3A_109 = arith.constant 0.000000e+00 : f32
    %broadcast_in_dim3A_110 = vector.broadcast %broadcast_in_dim3A_109 : f32 to vector<16xf32>
    %swap3A_111 = arith.constant 32 : index
    %swap3A_112 = tpu.vector_load %arg9[%swap3A_111] {strides = array<i32>} : memref<512xf32, #tpu.memory_space<vmem>>, vector<16xf32>,
    %swap3A_113 = vector.shape_cast %swap3A_112 : vector<16xf32> to vector<16xf32>
    %swap3A_114 = vector.shape_cast %broadcast_in_dim3A_110 : vector<16xf32> to vector<16xf32>
    tpu.vector_store %arg9[%swap3A_111], %swap3A_114 {strides = array<i32>} : memref<512xf32, #tpu.memory_space<vmem>>, vector<16xf32>,
    %broadcast_in_dim3A_115 = arith.constant 0.000000e+00 : f32
    %broadcast_in_dim3A_116 = vector.broadcast %broadcast_in_dim3A_115 : f32 to vector<16xf32>
    %swap3A_117 = arith.constant 48 : index
    %swap3A_118 = tpu.vector_load %arg9[%swap3A_117] {strides = array<i32>} : memref<512xf32, #tpu.memory_space<vmem>>, vector<16xf32>,
    %swap3A_119 = vector.shape_cast %swap3A_118 : vector<16xf32> to vector<16xf32>
    %swap3A_120 = vector.shape_cast %broadcast_in_dim3A_116 : vector<16xf32> to vector<16xf32>
    tpu.vector_store %arg9[%swap3A_117], %swap3A_120 {strides = array<i32>} : memref<512xf32, #tpu.memory_space<vmem>>, vector<16xf32>,
    %broadcast_in_dim3A_121 = arith.constant 0.000000e+00 : f32
    %broadcast_in_dim3A_122 = vector.broadcast %broadcast_in_dim3A_121 : f32 to vector<16xf32>
    %swap3A_123 = arith.constant 64 : index
    %swap3A_124 = tpu.vector_load %arg9[%swap3A_123] {strides = array<i32>} : memref<512xf32, #tpu.memory_space<vmem>>, vector<16xf32>,
    %swap3A_125 = vector.shape_cast %swap3A_124 : vector<16xf32> to vector<16xf32>
    %swap3A_126 = vector.shape_cast %broadcast_in_dim3A_122 : vector<16xf32> to vector<16xf32>
    tpu.vector_store %arg9[%swap3A_123], %swap3A_126 {strides = array<i32>} : memref<512xf32, #tpu.memory_space<vmem>>, vector<16xf32>,
    %broadcast_in_dim3A_127 = arith.constant 0.000000e+00 : f32
    %broadcast_in_dim3A_128 = vector.broadcast %broadcast_in_dim3A_127 : f32 to vector<16xf32>
    %swap3A_129 = arith.constant 80 : index
    %swap3A_130 = tpu.vector_load %arg9[%swap3A_129] {strides = array<i32>} : memref<512xf32, #tpu.memory_space<vmem>>, vector<16xf32>,
    %swap3A_131 = vector.shape_cast %swap3A_130 : vector<16xf32> to vector<16xf32>
    %swap3A_132 = vector.shape_cast %broadcast_in_dim3A_128 : vector<16xf32> to vector<16xf32>
    tpu.vector_store %arg9[%swap3A_129], %swap3A_132 {strides = array<i32>} : memref<512xf32, #tpu.memory_space<vmem>>, vector<16xf32>,
    %broadcast_in_dim3A_133 = arith.constant 0.000000e+00 : f32
    %broadcast_in_dim3A_134 = vector.broadcast %broadcast_in_dim3A_133 : f32 to vector<16xf32>
    %swap3A_135 = arith.constant 96 : index
    %swap3A_136 = tpu.vector_load %arg9[%swap3A_135] {strides = array<i32>} : memref<512xf32, #tpu.memory_space<vmem>>, vector<16xf32>,
    %swap3A_137 = vector.shape_cast %swap3A_136 : vector<16xf32> to vector<16xf32>
    %swap3A_138 = vector.shape_cast %broadcast_in_dim3A_134 : vector<16xf32> to vector<16xf32>
    tpu.vector_store %arg9[%swap3A_135], %swap3A_138 {strides = array<i32>} : memref<512xf32, #tpu.memory_space<vmem>>, vector<16xf32>,
    %broadcast_in_dim3A_139 = arith.constant 0.000000e+00 : f32
    %broadcast_in_dim3A_140 = vector.broadcast %broadcast_in_dim3A_139 : f32 to vector<16xf32>
    %swap3A_141 = arith.constant 112 : index
    %swap3A_142 = tpu.vector_load %arg9[%swap3A_141] {strides = array<i32>} : memref<512xf32, #tpu.memory_space<vmem>>, vector<16xf32>,
    %swap3A_143 = vector.shape_cast %swap3A_142 : vector<16xf32> to vector<16xf32>
    %swap3A_144 = vector.shape_cast %broadcast_in_dim3A_140 : vector<16xf32> to vector<16xf32>
    tpu.vector_store %arg9[%swap3A_141], %swap3A_144 {strides = array<i32>} : memref<512xf32, #tpu.memory_space<vmem>>, vector<16xf32>,
    %broadcast_in_dim3A_145 = arith.constant 0.000000e+00 : f32
    %broadcast_in_dim3A_146 = vector.broadcast %broadcast_in_dim3A_145 : f32 to vector<16xf32>
    %swap3A_147 = arith.constant 128 : index
    %swap3A_148 = tpu.vector_load %arg9[%swap3A_147] {strides = array<i32>} : memref<512xf32, #tpu.memory_space<vmem>>, vector<16xf32>,
    %swap3A_149 = vector.shape_cast %swap3A_148 : vector<16xf32> to vector<16xf32>
    %swap3A_150 = vector.shape_cast %broadcast_in_dim3A_146 : vector<16xf32> to vector<16xf32>
    tpu.vector_store %arg9[%swap3A_147], %swap3A_150 {strides = array<i32>} : memref<512xf32, #tpu.memory_space<vmem>>, vector<16xf32>,
    %broadcast_in_dim3A_151 = arith.constant 0.000000e+00 : f32
    %broadcast_in_dim3A_152 = vector.broadcast %broadcast_in_dim3A_151 : f32 to vector<16xf32>
    %swap3A_153 = arith.constant 144 : index
    %swap3A_154 = tpu.vector_load %arg9[%swap3A_153] {strides = array<i32>} : memref<512xf32, #tpu.memory_space<vmem>>, vector<16xf32>,
    %swap3A_155 = vector.shape_cast %swap3A_154 : vector<16xf32> to vector<16xf32>
    %swap3A_156 = vector.shape_cast %broadcast_in_dim3A_152 : vector<16xf32> to vector<16xf32>
    tpu.vector_store %arg9[%swap3A_153], %swap3A_156 {strides = array<i32>} : memref<512xf32, #tpu.memory_space<vmem>>, vector<16xf32>,
    %broadcast_in_dim3A_157 = arith.constant 0.000000e+00 : f32
    %broadcast_in_dim3A_158 = vector.broadcast %broadcast_in_dim3A_157 : f32 to vector<16xf32>
    %swap3A_159 = arith.constant 160 : index
    %swap3A_160 = tpu.vector_load %arg9[%swap3A_159] {strides = array<i32>} : memref<512xf32, #tpu.memory_space<vmem>>, vector<16xf32>,
    %swap3A_161 = vector.shape_cast %swap3A_160 : vector<16xf32> to vector<16xf32>
    %swap3A_162 = vector.shape_cast %broadcast_in_dim3A_158 : vector<16xf32> to vector<16xf32>
    tpu.vector_store %arg9[%swap3A_159], %swap3A_162 {strides = array<i32>} : memref<512xf32, #tpu.memory_space<vmem>>, vector<16xf32>,
    %broadcast_in_dim3A_163 = arith.constant 0.000000e+00 : f32
    %broadcast_in_dim3A_164 = vector.broadcast %broadcast_in_dim3A_163 : f32 to vector<16xf32>
    %swap3A_165 = arith.constant 176 : index
    %swap3A_166 = tpu.vector_load %arg9[%swap3A_165] {strides = array<i32>} : memref<512xf32, #tpu.memory_space<vmem>>, vector<16xf32>,
    %swap3A_167 = vector.shape_cast %swap3A_166 : vector<16xf32> to vector<16xf32>
    %swap3A_168 = vector.shape_cast %broadcast_in_dim3A_164 : vector<16xf32> to vector<16xf32>
    tpu.vector_store %arg9[%swap3A_165], %swap3A_168 {strides = array<i32>} : memref<512xf32, #tpu.memory_space<vmem>>, vector<16xf32>,
    %broadcast_in_dim3A_169 = arith.constant 0.000000e+00 : f32
    %broadcast_in_dim3A_170 = vector.broadcast %broadcast_in_dim3A_169 : f32 to vector<16xf32>
    %swap3A_171 = arith.constant 192 : index
    %swap3A_172 = tpu.vector_load %arg9[%swap3A_171] {strides = array<i32>} : memref<512xf32, #tpu.memory_space<vmem>>, vector<16xf32>,
    %swap3A_173 = vector.shape_cast %swap3A_172 : vector<16xf32> to vector<16xf32>
    %swap3A_174 = vector.shape_cast %broadcast_in_dim3A_170 : vector<16xf32> to vector<16xf32>
    tpu.vector_store %arg9[%swap3A_171], %swap3A_174 {strides = array<i32>} : memref<512xf32, #tpu.memory_space<vmem>>, vector<16xf32>,
    %broadcast_in_dim3A_175 = arith.constant 0.000000e+00 : f32
    %broadcast_in_dim3A_176 = vector.broadcast %broadcast_in_dim3A_175 : f32 to vector<16xf32>
    %swap3A_177 = arith.constant 208 : index
    %swap3A_178 = tpu.vector_load %arg9[%swap3A_177] {strides = array<i32>} : memref<512xf32, #tpu.memory_space<vmem>>, vector<16xf32>,
    %swap3A_179 = vector.shape_cast %swap3A_178 : vector<16xf32> to vector<16xf32>
    %swap3A_180 = vector.shape_cast %broadcast_in_dim3A_176 : vector<16xf32> to vector<16xf32>
    tpu.vector_store %arg9[%swap3A_177], %swap3A_180 {strides = array<i32>} : memref<512xf32, #tpu.memory_space<vmem>>, vector<16xf32>,
    %broadcast_in_dim3A_181 = arith.constant 0.000000e+00 : f32
    %broadcast_in_dim3A_182 = vector.broadcast %broadcast_in_dim3A_181 : f32 to vector<16xf32>
    %swap3A_183 = arith.constant 224 : index
    %swap3A_184 = tpu.vector_load %arg9[%swap3A_183] {strides = array<i32>} : memref<512xf32, #tpu.memory_space<vmem>>, vector<16xf32>,
    %swap3A_185 = vector.shape_cast %swap3A_184 : vector<16xf32> to vector<16xf32>
    %swap3A_186 = vector.shape_cast %broadcast_in_dim3A_182 : vector<16xf32> to vector<16xf32>
    tpu.vector_store %arg9[%swap3A_183], %swap3A_186 {strides = array<i32>} : memref<512xf32, #tpu.memory_space<vmem>>, vector<16xf32>,
    %broadcast_in_dim3A_187 = arith.constant 0.000000e+00 : f32
    %broadcast_in_dim3A_188 = vector.broadcast %broadcast_in_dim3A_187 : f32 to vector<16xf32>
    %swap3A_189 = arith.constant 240 : index
    %swap3A_190 = tpu.vector_load %arg9[%swap3A_189] {strides = array<i32>} : memref<512xf32, #tpu.memory_space<vmem>>, vector<16xf32>,
    %swap3A_191 = vector.shape_cast %swap3A_190 : vector<16xf32> to vector<16xf32>
    %swap3A_192 = vector.shape_cast %broadcast_in_dim3A_188 : vector<16xf32> to vector<16xf32>
    tpu.vector_store %arg9[%swap3A_189], %swap3A_192 {strides = array<i32>} : memref<512xf32, #tpu.memory_space<vmem>>, vector<16xf32>,
    %broadcast_in_dim3A_193 = arith.constant 0.000000e+00 : f32
    %broadcast_in_dim3A_194 = vector.broadcast %broadcast_in_dim3A_193 : f32 to vector<16xf32>
    %swap3A_195 = arith.constant 256 : index
    %swap3A_196 = tpu.vector_load %arg9[%swap3A_195] {strides = array<i32>} : memref<512xf32, #tpu.memory_space<vmem>>, vector<16xf32>,
    %swap3A_197 = vector.shape_cast %swap3A_196 : vector<16xf32> to vector<16xf32>
    %swap3A_198 = vector.shape_cast %broadcast_in_dim3A_194 : vector<16xf32> to vector<16xf32>
    tpu.vector_store %arg9[%swap3A_195], %swap3A_198 {strides = array<i32>} : memref<512xf32, #tpu.memory_space<vmem>>, vector<16xf32>,
    %broadcast_in_dim3A_199 = arith.constant 0.000000e+00 : f32
    %broadcast_in_dim3A_200 = vector.broadcast %broadcast_in_dim3A_199 : f32 to vector<16xf32>
    %swap3A_201 = arith.constant 272 : index
    %swap3A_202 = tpu.vector_load %arg9[%swap3A_201] {strides = array<i32>} : memref<512xf32, #tpu.memory_space<vmem>>, vector<16xf32>,
    %swap3A_203 = vector.shape_cast %swap3A_202 : vector<16xf32> to vector<16xf32>
    %swap3A_204 = vector.shape_cast %broadcast_in_dim3A_200 : vector<16xf32> to vector<16xf32>
    tpu.vector_store %arg9[%swap3A_201], %swap3A_204 {strides = array<i32>} : memref<512xf32, #tpu.memory_space<vmem>>, vector<16xf32>,
    %broadcast_in_dim3A_205 = arith.constant 0.000000e+00 : f32
    %broadcast_in_dim3A_206 = vector.broadcast %broadcast_in_dim3A_205 : f32 to vector<16xf32>
    %swap3A_207 = arith.constant 288 : index
    %swap3A_208 = tpu.vector_load %arg9[%swap3A_207] {strides = array<i32>} : memref<512xf32, #tpu.memory_space<vmem>>, vector<16xf32>,
    %swap3A_209 = vector.shape_cast %swap3A_208 : vector<16xf32> to vector<16xf32>
    %swap3A_210 = vector.shape_cast %broadcast_in_dim3A_206 : vector<16xf32> to vector<16xf32>
    tpu.vector_store %arg9[%swap3A_207], %swap3A_210 {strides = array<i32>} : memref<512xf32, #tpu.memory_space<vmem>>, vector<16xf32>,
    %broadcast_in_dim3A_211 = arith.constant 0.000000e+00 : f32
    %broadcast_in_dim3A_212 = vector.broadcast %broadcast_in_dim3A_211 : f32 to vector<16xf32>
    %swap3A_213 = arith.constant 304 : index
    %swap3A_214 = tpu.vector_load %arg9[%swap3A_213] {strides = array<i32>} : memref<512xf32, #tpu.memory_space<vmem>>, vector<16xf32>,
    %swap3A_215 = vector.shape_cast %swap3A_214 : vector<16xf32> to vector<16xf32>
    %swap3A_216 = vector.shape_cast %broadcast_in_dim3A_212 : vector<16xf32> to vector<16xf32>
    tpu.vector_store %arg9[%swap3A_213], %swap3A_216 {strides = array<i32>} : memref<512xf32, #tpu.memory_space<vmem>>, vector<16xf32>,
    %broadcast_in_dim3A_217 = arith.constant 0.000000e+00 : f32
    %broadcast_in_dim3A_218 = vector.broadcast %broadcast_in_dim3A_217 : f32 to vector<16xf32>
    %swap3A_219 = arith.constant 320 : index
    %swap3A_220 = tpu.vector_load %arg9[%swap3A_219] {strides = array<i32>} : memref<512xf32, #tpu.memory_space<vmem>>, vector<16xf32>,
    %swap3A_221 = vector.shape_cast %swap3A_220 : vector<16xf32> to vector<16xf32>
    %swap3A_222 = vector.shape_cast %broadcast_in_dim3A_218 : vector<16xf32> to vector<16xf32>
    tpu.vector_store %arg9[%swap3A_219], %swap3A_222 {strides = array<i32>} : memref<512xf32, #tpu.memory_space<vmem>>, vector<16xf32>,
    %broadcast_in_dim3A_223 = arith.constant 0.000000e+00 : f32
    %broadcast_in_dim3A_224 = vector.broadcast %broadcast_in_dim3A_223 : f32 to vector<16xf32>
    %swap3A_225 = arith.constant 336 : index
    %swap3A_226 = tpu.vector_load %arg9[%swap3A_225] {strides = array<i32>} : memref<512xf32, #tpu.memory_space<vmem>>, vector<16xf32>,
    %swap3A_227 = vector.shape_cast %swap3A_226 : vector<16xf32> to vector<16xf32>
    %swap3A_228 = vector.shape_cast %broadcast_in_dim3A_224 : vector<16xf32> to vector<16xf32>
    tpu.vector_store %arg9[%swap3A_225], %swap3A_228 {strides = array<i32>} : memref<512xf32, #tpu.memory_space<vmem>>, vector<16xf32>,
    %broadcast_in_dim3A_229 = arith.constant 0.000000e+00 : f32
    %broadcast_in_dim3A_230 = vector.broadcast %broadcast_in_dim3A_229 : f32 to vector<16xf32>
    %swap3A_231 = arith.constant 352 : index
    %swap3A_232 = tpu.vector_load %arg9[%swap3A_231] {strides = array<i32>} : memref<512xf32, #tpu.memory_space<vmem>>, vector<16xf32>,
    %swap3A_233 = vector.shape_cast %swap3A_232 : vector<16xf32> to vector<16xf32>
    %swap3A_234 = vector.shape_cast %broadcast_in_dim3A_230 : vector<16xf32> to vector<16xf32>
    tpu.vector_store %arg9[%swap3A_231], %swap3A_234 {strides = array<i32>} : memref<512xf32, #tpu.memory_space<vmem>>, vector<16xf32>,
    %broadcast_in_dim3A_235 = arith.constant 0.000000e+00 : f32
    %broadcast_in_dim3A_236 = vector.broadcast %broadcast_in_dim3A_235 : f32 to vector<16xf32>
    %swap3A_237 = arith.constant 368 : index
    %swap3A_238 = tpu.vector_load %arg9[%swap3A_237] {strides = array<i32>} : memref<512xf32, #tpu.memory_space<vmem>>, vector<16xf32>,
    %swap3A_239 = vector.shape_cast %swap3A_238 : vector<16xf32> to vector<16xf32>
    %swap3A_240 = vector.shape_cast %broadcast_in_dim3A_236 : vector<16xf32> to vector<16xf32>
    tpu.vector_store %arg9[%swap3A_237], %swap3A_240 {strides = array<i32>} : memref<512xf32, #tpu.memory_space<vmem>>, vector<16xf32>,
    %broadcast_in_dim3A_241 = arith.constant 0.000000e+00 : f32
    %broadcast_in_dim3A_242 = vector.broadcast %broadcast_in_dim3A_241 : f32 to vector<16xf32>
    %swap3A_243 = arith.constant 384 : index
    %swap3A_244 = tpu.vector_load %arg9[%swap3A_243] {strides = array<i32>} : memref<512xf32, #tpu.memory_space<vmem>>, vector<16xf32>,
    %swap3A_245 = vector.shape_cast %swap3A_244 : vector<16xf32> to vector<16xf32>
    %swap3A_246 = vector.shape_cast %broadcast_in_dim3A_242 : vector<16xf32> to vector<16xf32>
    tpu.vector_store %arg9[%swap3A_243], %swap3A_246 {strides = array<i32>} : memref<512xf32, #tpu.memory_space<vmem>>, vector<16xf32>,
    %broadcast_in_dim3A_247 = arith.constant 0.000000e+00 : f32
    %broadcast_in_dim3A_248 = vector.broadcast %broadcast_in_dim3A_247 : f32 to vector<16xf32>
    %swap3A_249 = arith.constant 400 : index
    %swap3A_250 = tpu.vector_load %arg9[%swap3A_249] {strides = array<i32>} : memref<512xf32, #tpu.memory_space<vmem>>, vector<16xf32>,
    %swap3A_251 = vector.shape_cast %swap3A_250 : vector<16xf32> to vector<16xf32>
    %swap3A_252 = vector.shape_cast %broadcast_in_dim3A_248 : vector<16xf32> to vector<16xf32>
    tpu.vector_store %arg9[%swap3A_249], %swap3A_252 {strides = array<i32>} : memref<512xf32, #tpu.memory_space<vmem>>, vector<16xf32>,
    %broadcast_in_dim3A_253 = arith.constant 0.000000e+00 : f32
    %broadcast_in_dim3A_254 = vector.broadcast %broadcast_in_dim3A_253 : f32 to vector<16xf32>
    %swap3A_255 = arith.constant 416 : index
    %swap3A_256 = tpu.vector_load %arg9[%swap3A_255] {strides = array<i32>} : memref<512xf32, #tpu.memory_space<vmem>>, vector<16xf32>,
    %swap3A_257 = vector.shape_cast %swap3A_256 : vector<16xf32> to vector<16xf32>
    %swap3A_258 = vector.shape_cast %broadcast_in_dim3A_254 : vector<16xf32> to vector<16xf32>
    tpu.vector_store %arg9[%swap3A_255], %swap3A_258 {strides = array<i32>} : memref<512xf32, #tpu.memory_space<vmem>>, vector<16xf32>,
    %broadcast_in_dim3A_259 = arith.constant 0.000000e+00 : f32
    %broadcast_in_dim3A_260 = vector.broadcast %broadcast_in_dim3A_259 : f32 to vector<16xf32>
    %swap3A_261 = arith.constant 432 : index
    %swap3A_262 = tpu.vector_load %arg9[%swap3A_261] {strides = array<i32>} : memref<512xf32, #tpu.memory_space<vmem>>, vector<16xf32>,
    %swap3A_263 = vector.shape_cast %swap3A_262 : vector<16xf32> to vector<16xf32>
    %swap3A_264 = vector.shape_cast %broadcast_in_dim3A_260 : vector<16xf32> to vector<16xf32>
    tpu.vector_store %arg9[%swap3A_261], %swap3A_264 {strides = array<i32>} : memref<512xf32, #tpu.memory_space<vmem>>, vector<16xf32>,
    %broadcast_in_dim3A_265 = arith.constant 0.000000e+00 : f32
    %broadcast_in_dim3A_266 = vector.broadcast %broadcast_in_dim3A_265 : f32 to vector<16xf32>
    %swap3A_267 = arith.constant 448 : index
    %swap3A_268 = tpu.vector_load %arg9[%swap3A_267] {strides = array<i32>} : memref<512xf32, #tpu.memory_space<vmem>>, vector<16xf32>,
    %swap3A_269 = vector.shape_cast %swap3A_268 : vector<16xf32> to vector<16xf32>
    %swap3A_270 = vector.shape_cast %broadcast_in_dim3A_266 : vector<16xf32> to vector<16xf32>
    tpu.vector_store %arg9[%swap3A_267], %swap3A_270 {strides = array<i32>} : memref<512xf32, #tpu.memory_space<vmem>>, vector<16xf32>,
    %broadcast_in_dim3A_271 = arith.constant 0.000000e+00 : f32
    %broadcast_in_dim3A_272 = vector.broadcast %broadcast_in_dim3A_271 : f32 to vector<16xf32>
    %swap3A_273 = arith.constant 464 : index
    %swap3A_274 = tpu.vector_load %arg9[%swap3A_273] {strides = array<i32>} : memref<512xf32, #tpu.memory_space<vmem>>, vector<16xf32>,
    %swap3A_275 = vector.shape_cast %swap3A_274 : vector<16xf32> to vector<16xf32>
    %swap3A_276 = vector.shape_cast %broadcast_in_dim3A_272 : vector<16xf32> to vector<16xf32>
    tpu.vector_store %arg9[%swap3A_273], %swap3A_276 {strides = array<i32>} : memref<512xf32, #tpu.memory_space<vmem>>, vector<16xf32>,
    %broadcast_in_dim3A_277 = arith.constant 0.000000e+00 : f32
    %broadcast_in_dim3A_278 = vector.broadcast %broadcast_in_dim3A_277 : f32 to vector<16xf32>
    %swap3A_279 = arith.constant 480 : index
    %swap3A_280 = tpu.vector_load %arg9[%swap3A_279] {strides = array<i32>} : memref<512xf32, #tpu.memory_space<vmem>>, vector<16xf32>,
    %swap3A_281 = vector.shape_cast %swap3A_280 : vector<16xf32> to vector<16xf32>
    %swap3A_282 = vector.shape_cast %broadcast_in_dim3A_278 : vector<16xf32> to vector<16xf32>
    tpu.vector_store %arg9[%swap3A_279], %swap3A_282 {strides = array<i32>} : memref<512xf32, #tpu.memory_space<vmem>>, vector<16xf32>,
    %broadcast_in_dim3A_283 = arith.constant 0.000000e+00 : f32
    %broadcast_in_dim3A_284 = vector.broadcast %broadcast_in_dim3A_283 : f32 to vector<16xf32>
    %swap3A_285 = arith.constant 496 : index
    %swap3A_286 = tpu.vector_load %arg9[%swap3A_285] {strides = array<i32>} : memref<512xf32, #tpu.memory_space<vmem>>, vector<16xf32>,
    %swap3A_287 = vector.shape_cast %swap3A_286 : vector<16xf32> to vector<16xf32>
    %swap3A_288 = vector.shape_cast %broadcast_in_dim3A_284 : vector<16xf32> to vector<16xf32>
    tpu.vector_store %arg9[%swap3A_285], %swap3A_288 {strides = array<i32>} : memref<512xf32, #tpu.memory_space<vmem>>, vector<16xf32>,
    "tpu.region"() ({
      %run_scoped3A = tpu.sem_alloc : memref<!tpu.dma_semaphore, #tpu.memory_space<semaphore_mem>>
      %dma_start3A_298 = tpu.memref_slice %arg3[%mul3A_2] : memref<8192xi32, #tpu.memory_space<hbm>> -> memref<256xi32, #tpu.memory_space<hbm>>
      %dma_start3A_299 = tpu.memref_slice %arg3[%mul3A_2] : memref<8192xi32, #tpu.memory_space<hbm>> -> memref<256xi32, #tpu.memory_space<hbm>>
      tpu.enqueue_dma source(%dma_start3A_299 : memref<256xi32, #tpu.memory_space<hbm>>) target(%arg6 : memref<256xi32, #tpu.memory_space<vmem>>) target_semaphore(%run_scoped3A : memref<!tpu.dma_semaphore, #tpu.memory_space<semaphore_mem>>)
      %dma_wait3A_300 = tpu.memref_slice %arg3[%mul3A_2] : memref<8192xi32, #tpu.memory_space<hbm>> -> memref<256xi32, #tpu.memory_space<hbm>>
      %dma_wait3A_301 = tpu.memref_slice %arg3[%mul3A_2] : memref<8192xi32, #tpu.memory_space<hbm>> -> memref<256xi32, #tpu.memory_space<hbm>>
      tpu.wait_dma2 semaphore(%run_scoped3A : memref<!tpu.dma_semaphore, #tpu.memory_space<semaphore_mem>>) src(%dma_wait3A_301 : memref<256xi32, #tpu.memory_space<hbm>>) dst(%arg6 : memref<256xi32, #tpu.memory_space<vmem>>)
      tpu.yield
    }) : () -> ()
    %dma_start3A = arith.constant 0 : i32
    %dma_start3A_289 = arith.constant 0 : i32
    %dma_start3A_290 = tpu.memref_slice %arg2[%dma_start3A, %dma_start3A_289] : memref<8192x256xf32, #tpu.memory_space<hbm>> -> memref<8192x256xf32, #tpu.memory_space<hbm>>
    tpu.enqueue_indirect_dma source(%dma_start3A_290 : memref<8192x256xf32, #tpu.memory_space<hbm>>) target(%arg7 : memref<256x256xf32, #tpu.memory_space<vmem>>) offsets(%arg6 : memref<256xi32, #tpu.memory_space<vmem>>) semaphore(%arg11 : memref<!tpu.dma_semaphore, #tpu.memory_space<semaphore_mem>>)
    %dma_wait3A = arith.constant 0 : i32
    %dma_wait3A_291 = arith.constant 0 : i32
    %dma_wait3A_292 = tpu.memref_slice %arg2[%dma_wait3A, %dma_wait3A_291] : memref<8192x256xf32, #tpu.memory_space<hbm>> -> memref<8192x256xf32, #tpu.memory_space<hbm>>
    tpu.wait_indirect_dma semaphore(%arg11 : memref<!tpu.dma_semaphore, #tpu.memory_space<semaphore_mem>>) src(%dma_wait3A_292 : memref<8192x256xf32, #tpu.memory_space<hbm>>) dst(%arg7 : memref<256x256xf32, #tpu.memory_space<vmem>>)
    "tpu.region"() ({
      %run_scoped3A = tpu.sem_alloc : memref<!tpu.dma_semaphore, #tpu.memory_space<semaphore_mem>>
      %dma_start3A_298 = arith.constant 0 : i32
      %dma_start3A_299 = tpu.memref_slice %arg4[%mul3A_2, %dma_start3A_298] : memref<8192x256xf32, #tpu.memory_space<hbm>> -> memref<256x256xf32, #tpu.memory_space<hbm>>
      %dma_start3A_300 = arith.constant 0 : i32
      %dma_start3A_301 = tpu.memref_slice %arg4[%mul3A_2, %dma_start3A_300] : memref<8192x256xf32, #tpu.memory_space<hbm>> -> memref<256x256xf32, #tpu.memory_space<hbm>>
      tpu.enqueue_dma source(%arg7 : memref<256x256xf32, #tpu.memory_space<vmem>>) target(%dma_start3A_301 : memref<256x256xf32, #tpu.memory_space<hbm>>) target_semaphore(%run_scoped3A : memref<!tpu.dma_semaphore, #tpu.memory_space<semaphore_mem>>)
      %dma_wait3A_302 = arith.constant 0 : i32
      %dma_wait3A_303 = tpu.memref_slice %arg4[%mul3A_2, %dma_wait3A_302] : memref<8192x256xf32, #tpu.memory_space<hbm>> -> memref<256x256xf32, #tpu.memory_space<hbm>>
      %dma_wait3A_304 = arith.constant 0 : i32
      %dma_wait3A_305 = tpu.memref_slice %arg4[%mul3A_2, %dma_wait3A_304] : memref<8192x256xf32, #tpu.memory_space<hbm>> -> memref<256x256xf32, #tpu.memory_space<hbm>>
      tpu.wait_dma2 semaphore(%run_scoped3A : memref<!tpu.dma_semaphore, #tpu.memory_space<semaphore_mem>>) src(%arg7 : memref<256x256xf32, #tpu.memory_space<vmem>>) dst(%dma_wait3A_305 : memref<256x256xf32, #tpu.memory_space<hbm>>)
      tpu.yield
    }) : () -> ()
    %mul3A_293 = arith.constant 512 : i32
    %mul3A_294 = arith.muli %arg1, %mul3A_293 : i32
    "tpu.region"() ({
      %run_scoped3A = tpu.sem_alloc : memref<!tpu.dma_semaphore, #tpu.memory_space<semaphore_mem>>
      %dma_start3A_298 = tpu.memref_slice %arg10[%mul3A_294] : memref<8192xf32, #tpu.memory_space<vmem_shared>> -> memref<512xf32, #tpu.memory_space<vmem_shared>>
      %dma_start3A_299 = tpu.memref_slice %arg10[%mul3A_294] : memref<8192xf32, #tpu.memory_space<vmem_shared>> -> memref<512xf32, #tpu.memory_space<vmem_shared>>
      tpu.enqueue_dma source(%arg9 : memref<512xf32, #tpu.memory_space<vmem>>) target(%dma_start3A_299 : memref<512xf32, #tpu.memory_space<vmem_shared>>) target_semaphore(%run_scoped3A : memref<!tpu.dma_semaphore, #tpu.memory_space<semaphore_mem>>)
      %dma_wait3A_300 = tpu.memref_slice %arg10[%mul3A_294] : memref<8192xf32, #tpu.memory_space<vmem_shared>> -> memref<512xf32, #tpu.memory_space<vmem_shared>>
      %dma_wait3A_301 = tpu.memref_slice %arg10[%mul3A_294] : memref<8192xf32, #tpu.memory_space<vmem_shared>> -> memref<512xf32, #tpu.memory_space<vmem_shared>>
      tpu.wait_dma2 semaphore(%run_scoped3A : memref<!tpu.dma_semaphore, #tpu.memory_space<semaphore_mem>>) src(%arg9 : memref<512xf32, #tpu.memory_space<vmem>>) dst(%dma_wait3A_301 : memref<512xf32, #tpu.memory_space<vmem_shared>>)
      tpu.yield
    }) : () -> ()
    %barrier3A = arith.constant 0 : index
    tpu.barrier barrier_id(%barrier3A)
    "tpu.region"() ({
      %run_scoped3A = tpu.sem_alloc : memref<!tpu.dma_semaphore, #tpu.memory_space<semaphore_mem>>
      %dma_start3A_298 = arith.constant 0 : i32
      %dma_start3A_299 = tpu.memref_slice %arg10[%dma_start3A_298] : memref<8192xf32, #tpu.memory_space<vmem_shared>> -> memref<8192xf32, #tpu.memory_space<vmem_shared>>
      tpu.enqueue_indirect_dma source(%arg8 : memref<256xf32, #tpu.memory_space<vmem>>) target(%dma_start3A_299 : memref<8192xf32, #tpu.memory_space<vmem_shared>>) offsets(%arg6 : memref<256xi32, #tpu.memory_space<vmem>>) semaphore(%run_scoped3A : memref<!tpu.dma_semaphore, #tpu.memory_space<semaphore_mem>>) {add = true}
      %dma_wait3A_300 = arith.constant 0 : i32
      %dma_wait3A_301 = tpu.memref_slice %arg10[%dma_wait3A_300] : memref<8192xf32, #tpu.memory_space<vmem_shared>> -> memref<8192xf32, #tpu.memory_space<vmem_shared>>
      tpu.wait_indirect_dma semaphore(%run_scoped3A : memref<!tpu.dma_semaphore, #tpu.memory_space<semaphore_mem>>) src(%arg8 : memref<256xf32, #tpu.memory_space<vmem>>) dst(%dma_wait3A_301 : memref<8192xf32, #tpu.memory_space<vmem_shared>>)
      tpu.yield
    }) : () -> ()
    %barrier3A_295 = arith.constant 0 : index
    tpu.barrier barrier_id(%barrier3A_295)
    %eq3A = arith.constant 0 : i32
    %eq3A_296 = arith.cmpi eq, %arg1, %eq3A : i32
    %convert_element_type3A = arith.extui %eq3A_296 : i1 to i32
    %cond3A = arith.constant 0 : i32
    %cond3A_297 = arith.cmpi ne, %convert_element_type3A, %cond3A : i32
    scf.if %cond3A_297 {
      "tpu.region"() ({
        %run_scoped3A = tpu.sem_alloc : memref<!tpu.dma_semaphore, #tpu.memory_space<semaphore_mem>>
        %dma_start3A_298 = arith.constant 0 : i32
        %dma_start3A_299 = tpu.memref_slice %arg5[%arg0, %dma_start3A_298] : memref<2x8192xf32, #tpu.memory_space<hbm>> -> memref<1x8192xf32, #tpu.memory_space<hbm>>
        %dma_start3A_300 = tpu.memref_squeeze %dma_start3A_299 : memref<1x8192xf32, #tpu.memory_space<hbm>> -> memref<8192xf32, #tpu.memory_space<hbm>>
        tpu.enqueue_dma source(%arg10 : memref<8192xf32, #tpu.memory_space<vmem_shared>>) target(%dma_start3A_300 : memref<8192xf32, #tpu.memory_space<hbm>>) target_semaphore(%run_scoped3A : memref<!tpu.dma_semaphore, #tpu.memory_space<semaphore_mem>>)
        %dma_wait3A_301 = arith.constant 0 : i32
        %dma_wait3A_302 = tpu.memref_slice %arg5[%arg0, %dma_wait3A_301] : memref<2x8192xf32, #tpu.memory_space<hbm>> -> memref<1x8192xf32, #tpu.memory_space<hbm>>
        %dma_wait3A_303 = tpu.memref_squeeze %dma_wait3A_302 : memref<1x8192xf32, #tpu.memory_space<hbm>> -> memref<8192xf32, #tpu.memory_space<hbm>>
        tpu.wait_dma2 semaphore(%run_scoped3A : memref<!tpu.dma_semaphore, #tpu.memory_space<semaphore_mem>>) src(%arg10 : memref<8192xf32, #tpu.memory_space<vmem_shared>>) dst(%dma_wait3A_303 : memref<8192xf32, #tpu.memory_space<hbm>>)
        tpu.yield
      }) : () -> ()
    } else {
    }
    return
  }
}

module attributes {stable_mosaic.version = 14 : i64} {
  func.func @_argmin_body(%arg0: i32, %arg1: i32, %arg2: memref<2048x256xf32, #tpu.memory_space<vmem>>, %arg3: memref<256x1024xf32, #tpu.memory_space<vmem>>, %arg4: memref<2048x1xf32, #tpu.memory_space<vmem>>, %arg5: memref<2048x1xi32, #tpu.memory_space<vmem>>, %arg6: memref<2048x1xf32, #tpu.memory_space<vmem>>, %arg7: memref<2048x1xi32, #tpu.memory_space<vmem>>, %arg8: memref<2048x1xi32, #tpu.memory_space<vmem>>) attributes {dimension_semantics = [#tpu.dimension_semantics<arbitrary>, #tpu.dimension_semantics<arbitrary>], iteration_bounds = array<i64: 4, 8>, scalar_prefetch = 0 : i64, scratch_operands = 3 : i64, tpu.core_type = #tpu.core_type<tc>, window_params = [{transform_indices = @transform_0, window_bounds = array<i64: 2048, 256>}, {transform_indices = @transform_1, window_bounds = array<i64: 256, 1024>}, {transform_indices = @transform_2, window_bounds = array<i64: 2048, 1>}, {transform_indices = @transform_3, window_bounds = array<i64: 2048, 1>}]} {
    %get3A = arith.constant 0 : index
    %get3A_0 = arith.constant 0 : index
    %get3A_1 = vector.load %arg3[%get3A, %get3A_0] : memref<256x1024xf32, #tpu.memory_space<vmem>>, vector<256x1024xf32>
    %square3A = arith.mulf %get3A_1, %get3A_1 : vector<256x1024xf32>
    %reduce_sum3A = arith.constant dense<0.000000e+00> : vector<1024xf32>
    %reduce_sum3A_2 = vector.multi_reduction <add>, %square3A, %reduce_sum3A [0] : vector<256x1024xf32> to vector<1024xf32>
    %broadcast_in_dim3A = vector.shape_cast %reduce_sum3A_2 : vector<1024xf32> to vector<1x1024xf32>
    %get3A_3 = arith.constant 0 : index
    %get3A_4 = arith.constant 0 : index
    %get3A_5 = vector.load %arg2[%get3A_3, %get3A_4] : memref<2048x256xf32, #tpu.memory_space<vmem>>, vector<2048x256xf32>
    %mul3A = arith.constant -2.000000e+00 : f32
    %mul3A_6 = vector.broadcast %mul3A : f32 to vector<2048x256xf32>
    %mul3A_7 = arith.mulf %get3A_5, %mul3A_6 : vector<2048x256xf32>
    %convert_element_type3A = arith.truncf %mul3A_7 : vector<2048x256xf32> to vector<2048x256xbf16>
    %convert_element_type3A_8 = arith.truncf %get3A_1 : vector<256x1024xf32> to vector<256x1024xbf16>
    %dot_general3A = arith.constant dense<0.000000e+00> : vector<2048x1024xf32>
    %dot_general3A_9 = tpu.matmul %convert_element_type3A, %convert_element_type3A_8, %dot_general3A {dimension_numbers = #tpu.dot_dimension_numbers<[1], [0], [0], [1], [0, 0, 1, 1], [], []>, transpose_lhs_hint = false} : vector<2048x256xbf16>, vector<256x1024xbf16>, vector<2048x1024xf32> -> vector<2048x1024xf32>
    %get3A_10 = arith.constant 0 : index
    %get3A_11 = arith.constant 0 : index
    %get3A_12 = vector.load %arg4[%get3A_10, %get3A_11] : memref<2048x1xf32, #tpu.memory_space<vmem>>, vector<2048x1xf32>
    %slice3A = vector.extract_strided_slice %dot_general3A_9 {offsets = [0, 0], sizes = [2048, 128], strides = [1, 1]} : vector<2048x1024xf32> to vector<2048x128xf32>
    %add3A = vector.broadcast %get3A_12 : vector<2048x1xf32> to vector<2048x128xf32>
    %add3A_13 = arith.addf %add3A, %slice3A : vector<2048x128xf32>
    %slice3A_14 = vector.extract_strided_slice %broadcast_in_dim3A {offsets = [0, 0], sizes = [1, 128], strides = [1, 1]} : vector<1x1024xf32> to vector<1x128xf32>
    %add3A_15 = vector.broadcast %slice3A_14 : vector<1x128xf32> to vector<2048x128xf32>
    %add3A_16 = arith.addf %add3A_13, %add3A_15 : vector<2048x128xf32>
    %slice3A_17 = vector.extract_strided_slice %dot_general3A_9 {offsets = [0, 128], sizes = [2048, 128], strides = [1, 1]} : vector<2048x1024xf32> to vector<2048x128xf32>
    %add3A_18 = vector.broadcast %get3A_12 : vector<2048x1xf32> to vector<2048x128xf32>
    %add3A_19 = arith.addf %add3A_18, %slice3A_17 : vector<2048x128xf32>
    %slice3A_20 = vector.extract_strided_slice %broadcast_in_dim3A {offsets = [0, 128], sizes = [1, 128], strides = [1, 1]} : vector<1x1024xf32> to vector<1x128xf32>
    %add3A_21 = vector.broadcast %slice3A_20 : vector<1x128xf32> to vector<2048x128xf32>
    %add3A_22 = arith.addf %add3A_19, %add3A_21 : vector<2048x128xf32>
    %lt3A = arith.cmpf olt, %add3A_22, %add3A_16 : vector<2048x128xf32>
    %jit3A = arith.constant 1 : i32
    %jit3A_23 = arith.constant 0 : i32
    %broadcast_in_dim3A_24 = vector.broadcast %jit3A : i32 to vector<2048x128xi32>
    %broadcast_in_dim3A_25 = vector.broadcast %jit3A_23 : i32 to vector<2048x128xi32>
    %select_n3A = arith.select %lt3A, %broadcast_in_dim3A_24, %broadcast_in_dim3A_25 : vector<2048x128xi1>, vector<2048x128xi32>
    %min3A = arith.minimumf %add3A_22, %add3A_16 : vector<2048x128xf32>
    %slice3A_26 = vector.extract_strided_slice %dot_general3A_9 {offsets = [0, 256], sizes = [2048, 128], strides = [1, 1]} : vector<2048x1024xf32> to vector<2048x128xf32>
    %add3A_27 = vector.broadcast %get3A_12 : vector<2048x1xf32> to vector<2048x128xf32>
    %add3A_28 = arith.addf %add3A_27, %slice3A_26 : vector<2048x128xf32>
    %slice3A_29 = vector.extract_strided_slice %broadcast_in_dim3A {offsets = [0, 256], sizes = [1, 128], strides = [1, 1]} : vector<1x1024xf32> to vector<1x128xf32>
    %add3A_30 = vector.broadcast %slice3A_29 : vector<1x128xf32> to vector<2048x128xf32>
    %add3A_31 = arith.addf %add3A_28, %add3A_30 : vector<2048x128xf32>
    %lt3A_32 = arith.cmpf olt, %add3A_31, %min3A : vector<2048x128xf32>
    %select_n3A_33 = arith.select %lt3A_32, %add3A_31, %min3A : vector<2048x128xi1>, vector<2048x128xf32>
    %jit3A_34 = arith.constant 2 : i32
    %broadcast_in_dim3A_35 = vector.broadcast %jit3A_34 : i32 to vector<2048x128xi32>
    %select_n3A_36 = arith.select %lt3A_32, %broadcast_in_dim3A_35, %select_n3A : vector<2048x128xi1>, vector<2048x128xi32>
    %slice3A_37 = vector.extract_strided_slice %dot_general3A_9 {offsets = [0, 384], sizes = [2048, 128], strides = [1, 1]} : vector<2048x1024xf32> to vector<2048x128xf32>
    %add3A_38 = vector.broadcast %get3A_12 : vector<2048x1xf32> to vector<2048x128xf32>
    %add3A_39 = arith.addf %add3A_38, %slice3A_37 : vector<2048x128xf32>
    %slice3A_40 = vector.extract_strided_slice %broadcast_in_dim3A {offsets = [0, 384], sizes = [1, 128], strides = [1, 1]} : vector<1x1024xf32> to vector<1x128xf32>
    %add3A_41 = vector.broadcast %slice3A_40 : vector<1x128xf32> to vector<2048x128xf32>
    %add3A_42 = arith.addf %add3A_39, %add3A_41 : vector<2048x128xf32>
    %lt3A_43 = arith.cmpf olt, %add3A_42, %select_n3A_33 : vector<2048x128xf32>
    %select_n3A_44 = arith.select %lt3A_43, %add3A_42, %select_n3A_33 : vector<2048x128xi1>, vector<2048x128xf32>
    %jit3A_45 = arith.constant 3 : i32
    %broadcast_in_dim3A_46 = vector.broadcast %jit3A_45 : i32 to vector<2048x128xi32>
    %select_n3A_47 = arith.select %lt3A_43, %broadcast_in_dim3A_46, %select_n3A_36 : vector<2048x128xi1>, vector<2048x128xi32>
    %slice3A_48 = vector.extract_strided_slice %dot_general3A_9 {offsets = [0, 512], sizes = [2048, 128], strides = [1, 1]} : vector<2048x1024xf32> to vector<2048x128xf32>
    %add3A_49 = vector.broadcast %get3A_12 : vector<2048x1xf32> to vector<2048x128xf32>
    %add3A_50 = arith.addf %add3A_49, %slice3A_48 : vector<2048x128xf32>
    %slice3A_51 = vector.extract_strided_slice %broadcast_in_dim3A {offsets = [0, 512], sizes = [1, 128], strides = [1, 1]} : vector<1x1024xf32> to vector<1x128xf32>
    %add3A_52 = vector.broadcast %slice3A_51 : vector<1x128xf32> to vector<2048x128xf32>
    %add3A_53 = arith.addf %add3A_50, %add3A_52 : vector<2048x128xf32>
    %lt3A_54 = arith.cmpf olt, %add3A_53, %select_n3A_44 : vector<2048x128xf32>
    %select_n3A_55 = arith.select %lt3A_54, %add3A_53, %select_n3A_44 : vector<2048x128xi1>, vector<2048x128xf32>
    %jit3A_56 = arith.constant 4 : i32
    %broadcast_in_dim3A_57 = vector.broadcast %jit3A_56 : i32 to vector<2048x128xi32>
    %select_n3A_58 = arith.select %lt3A_54, %broadcast_in_dim3A_57, %select_n3A_47 : vector<2048x128xi1>, vector<2048x128xi32>
    %slice3A_59 = vector.extract_strided_slice %dot_general3A_9 {offsets = [0, 640], sizes = [2048, 128], strides = [1, 1]} : vector<2048x1024xf32> to vector<2048x128xf32>
    %add3A_60 = vector.broadcast %get3A_12 : vector<2048x1xf32> to vector<2048x128xf32>
    %add3A_61 = arith.addf %add3A_60, %slice3A_59 : vector<2048x128xf32>
    %slice3A_62 = vector.extract_strided_slice %broadcast_in_dim3A {offsets = [0, 640], sizes = [1, 128], strides = [1, 1]} : vector<1x1024xf32> to vector<1x128xf32>
    %add3A_63 = vector.broadcast %slice3A_62 : vector<1x128xf32> to vector<2048x128xf32>
    %add3A_64 = arith.addf %add3A_61, %add3A_63 : vector<2048x128xf32>
    %lt3A_65 = arith.cmpf olt, %add3A_64, %select_n3A_55 : vector<2048x128xf32>
    %select_n3A_66 = arith.select %lt3A_65, %add3A_64, %select_n3A_55 : vector<2048x128xi1>, vector<2048x128xf32>
    %jit3A_67 = arith.constant 5 : i32
    %broadcast_in_dim3A_68 = vector.broadcast %jit3A_67 : i32 to vector<2048x128xi32>
    %select_n3A_69 = arith.select %lt3A_65, %broadcast_in_dim3A_68, %select_n3A_58 : vector<2048x128xi1>, vector<2048x128xi32>
    %slice3A_70 = vector.extract_strided_slice %dot_general3A_9 {offsets = [0, 768], sizes = [2048, 128], strides = [1, 1]} : vector<2048x1024xf32> to vector<2048x128xf32>
    %add3A_71 = vector.broadcast %get3A_12 : vector<2048x1xf32> to vector<2048x128xf32>
    %add3A_72 = arith.addf %add3A_71, %slice3A_70 : vector<2048x128xf32>
    %slice3A_73 = vector.extract_strided_slice %broadcast_in_dim3A {offsets = [0, 768], sizes = [1, 128], strides = [1, 1]} : vector<1x1024xf32> to vector<1x128xf32>
    %add3A_74 = vector.broadcast %slice3A_73 : vector<1x128xf32> to vector<2048x128xf32>
    %add3A_75 = arith.addf %add3A_72, %add3A_74 : vector<2048x128xf32>
    %lt3A_76 = arith.cmpf olt, %add3A_75, %select_n3A_66 : vector<2048x128xf32>
    %select_n3A_77 = arith.select %lt3A_76, %add3A_75, %select_n3A_66 : vector<2048x128xi1>, vector<2048x128xf32>
    %jit3A_78 = arith.constant 6 : i32
    %broadcast_in_dim3A_79 = vector.broadcast %jit3A_78 : i32 to vector<2048x128xi32>
    %select_n3A_80 = arith.select %lt3A_76, %broadcast_in_dim3A_79, %select_n3A_69 : vector<2048x128xi1>, vector<2048x128xi32>
    %slice3A_81 = vector.extract_strided_slice %dot_general3A_9 {offsets = [0, 896], sizes = [2048, 128], strides = [1, 1]} : vector<2048x1024xf32> to vector<2048x128xf32>
    %add3A_82 = vector.broadcast %get3A_12 : vector<2048x1xf32> to vector<2048x128xf32>
    %add3A_83 = arith.addf %add3A_82, %slice3A_81 : vector<2048x128xf32>
    %slice3A_84 = vector.extract_strided_slice %broadcast_in_dim3A {offsets = [0, 896], sizes = [1, 128], strides = [1, 1]} : vector<1x1024xf32> to vector<1x128xf32>
    %add3A_85 = vector.broadcast %slice3A_84 : vector<1x128xf32> to vector<2048x128xf32>
    %add3A_86 = arith.addf %add3A_83, %add3A_85 : vector<2048x128xf32>
    %lt3A_87 = arith.cmpf olt, %add3A_86, %select_n3A_77 : vector<2048x128xf32>
    %select_n3A_88 = arith.select %lt3A_87, %add3A_86, %select_n3A_77 : vector<2048x128xi1>, vector<2048x128xf32>
    %jit3A_89 = arith.constant 7 : i32
    %broadcast_in_dim3A_90 = vector.broadcast %jit3A_89 : i32 to vector<2048x128xi32>
    %select_n3A_91 = arith.select %lt3A_87, %broadcast_in_dim3A_90, %select_n3A_80 : vector<2048x128xi1>, vector<2048x128xi32>
    %reduce_min3A = arith.constant dense<0x7F800000> : vector<2048xf32>
    %reduce_min3A_92 = vector.multi_reduction <minimumf>, %select_n3A_88, %reduce_min3A [1] : vector<2048x128xf32> to vector<2048xf32>
    %broadcast_in_dim3A_93 = vector.shape_cast %reduce_min3A_92 : vector<2048xf32> to vector<2048x1xf32>
    %iota3A = tpu.iota {dimensions = array<i32: 1>} : vector<2048x128xi32>
    %eq3A = vector.broadcast %broadcast_in_dim3A_93 : vector<2048x1xf32> to vector<2048x128xf32>
    %eq3A_94 = arith.cmpf oeq, %select_n3A_88, %eq3A : vector<2048x128xf32>
    %mul3A_95 = arith.constant 128 : i32
    %mul3A_96 = vector.broadcast %mul3A_95 : i32 to vector<2048x128xi32>
    %mul3A_97 = arith.muli %select_n3A_91, %mul3A_96 : vector<2048x128xi32>
    %add3A_98 = arith.addi %mul3A_97, %iota3A : vector<2048x128xi32>
    %jit3A_99 = arith.constant 1024 : i32
    %broadcast_in_dim3A_100 = vector.broadcast %jit3A_99 : i32 to vector<2048x128xi32>
    %select_n3A_101 = arith.select %eq3A_94, %add3A_98, %broadcast_in_dim3A_100 : vector<2048x128xi1>, vector<2048x128xi32>
    %reduce_min3A_102 = arith.constant dense<2147483647> : vector<2048xi32>
    %reduce_min3A_103 = vector.multi_reduction <minsi>, %select_n3A_101, %reduce_min3A_102 [1] : vector<2048x128xi32> to vector<2048xi32>
    %broadcast_in_dim3A_104 = vector.shape_cast %reduce_min3A_103 : vector<2048xi32> to vector<2048x1xi32>
    %mul3A_105 = arith.constant 1024 : i32
    %mul3A_106 = arith.muli %arg1, %mul3A_105 : i32
    %add3A_107 = vector.broadcast %mul3A_106 : i32 to vector<2048x1xi32>
    %add3A_108 = arith.addi %broadcast_in_dim3A_104, %add3A_107 : vector<2048x1xi32>
    %swap3A = arith.constant 0 : index
    %swap3A_109 = arith.constant 0 : index
    %swap3A_110 = vector.load %arg8[%swap3A, %swap3A_109] : memref<2048x1xi32, #tpu.memory_space<vmem>>, vector<2048x1xi32>
    tpu.vector_store %arg8[%swap3A, %swap3A_109], %add3A_108 {strides = array<i32>} : memref<2048x1xi32, #tpu.memory_space<vmem>>, vector<2048x1xi32>,
    %eq3A_111 = arith.constant 0 : i32
    %eq3A_112 = arith.cmpi eq, %arg1, %eq3A_111 : i32
    %convert_element_type3A_113 = arith.extui %eq3A_112 : i1 to i32
    %cond3A = arith.constant 0 : i32
    %cond3A_114 = arith.cmpi ne, %convert_element_type3A_113, %cond3A : i32
    scf.if %cond3A_114 {
      %swap3A_124 = arith.constant 0 : index
      %swap3A_125 = arith.constant 0 : index
      %swap3A_126 = vector.load %arg6[%swap3A_124, %swap3A_125] : memref<2048x1xf32, #tpu.memory_space<vmem>>, vector<2048x1xf32>
      tpu.vector_store %arg6[%swap3A_124, %swap3A_125], %broadcast_in_dim3A_93 {strides = array<i32>} : memref<2048x1xf32, #tpu.memory_space<vmem>>, vector<2048x1xf32>,
      %get3A_127 = arith.constant 0 : index
      %get3A_128 = arith.constant 0 : index
      %get3A_129 = vector.load %arg8[%get3A_127, %get3A_128] : memref<2048x1xi32, #tpu.memory_space<vmem>>, vector<2048x1xi32>
      %swap3A_130 = arith.constant 0 : index
      %swap3A_131 = arith.constant 0 : index
      %swap3A_132 = vector.load %arg7[%swap3A_130, %swap3A_131] : memref<2048x1xi32, #tpu.memory_space<vmem>>, vector<2048x1xi32>
      tpu.vector_store %arg7[%swap3A_130, %swap3A_131], %get3A_129 {strides = array<i32>} : memref<2048x1xi32, #tpu.memory_space<vmem>>, vector<2048x1xi32>,
    } else {
    }
    %gt3A = arith.constant 0 : i32
    %gt3A_115 = arith.cmpi sgt, %arg1, %gt3A : i32
    %convert_element_type3A_116 = arith.extui %gt3A_115 : i1 to i32
    %cond3A_117 = arith.constant 0 : i32
    %cond3A_118 = arith.cmpi ne, %convert_element_type3A_116, %cond3A_117 : i32
    scf.if %cond3A_118 {
      %get3A_124 = arith.constant 0 : index
      %get3A_125 = arith.constant 0 : index
      %get3A_126 = vector.load %arg6[%get3A_124, %get3A_125] : memref<2048x1xf32, #tpu.memory_space<vmem>>, vector<2048x1xf32>
      %lt3A_127 = arith.cmpf olt, %broadcast_in_dim3A_93, %get3A_126 : vector<2048x1xf32>
      %get3A_128 = arith.constant 0 : index
      %get3A_129 = arith.constant 0 : index
      %get3A_130 = vector.load %arg6[%get3A_128, %get3A_129] : memref<2048x1xf32, #tpu.memory_space<vmem>>, vector<2048x1xf32>
      %select_n3A_131 = arith.select %lt3A_127, %broadcast_in_dim3A_93, %get3A_130 : vector<2048x1xi1>, vector<2048x1xf32>
      %swap3A_132 = arith.constant 0 : index
      %swap3A_133 = arith.constant 0 : index
      %swap3A_134 = vector.load %arg6[%swap3A_132, %swap3A_133] : memref<2048x1xf32, #tpu.memory_space<vmem>>, vector<2048x1xf32>
      tpu.vector_store %arg6[%swap3A_132, %swap3A_133], %select_n3A_131 {strides = array<i32>} : memref<2048x1xf32, #tpu.memory_space<vmem>>, vector<2048x1xf32>,
      %get3A_135 = arith.constant 0 : index
      %get3A_136 = arith.constant 0 : index
      %get3A_137 = vector.load %arg8[%get3A_135, %get3A_136] : memref<2048x1xi32, #tpu.memory_space<vmem>>, vector<2048x1xi32>
      %get3A_138 = arith.constant 0 : index
      %get3A_139 = arith.constant 0 : index
      %get3A_140 = vector.load %arg7[%get3A_138, %get3A_139] : memref<2048x1xi32, #tpu.memory_space<vmem>>, vector<2048x1xi32>
      %select_n3A_141 = arith.select %lt3A_127, %get3A_137, %get3A_140 : vector<2048x1xi1>, vector<2048x1xi32>
      %swap3A_142 = arith.constant 0 : index
      %swap3A_143 = arith.constant 0 : index
      %swap3A_144 = vector.load %arg7[%swap3A_142, %swap3A_143] : memref<2048x1xi32, #tpu.memory_space<vmem>>, vector<2048x1xi32>
      tpu.vector_store %arg7[%swap3A_142, %swap3A_143], %select_n3A_141 {strides = array<i32>} : memref<2048x1xi32, #tpu.memory_space<vmem>>, vector<2048x1xi32>,
    } else {
    }
    %eq3A_119 = arith.constant 7 : i32
    %eq3A_120 = arith.cmpi eq, %arg1, %eq3A_119 : i32
    %convert_element_type3A_121 = arith.extui %eq3A_120 : i1 to i32
    %cond3A_122 = arith.constant 0 : i32
    %cond3A_123 = arith.cmpi ne, %convert_element_type3A_121, %cond3A_122 : i32
    scf.if %cond3A_123 {
      %get3A_124 = arith.constant 0 : index
      %get3A_125 = arith.constant 0 : index
      %get3A_126 = vector.load %arg7[%get3A_124, %get3A_125] : memref<2048x1xi32, #tpu.memory_space<vmem>>, vector<2048x1xi32>
      %swap3A_127 = arith.constant 0 : index
      %swap3A_128 = arith.constant 0 : index
      %swap3A_129 = vector.load %arg5[%swap3A_127, %swap3A_128] : memref<2048x1xi32, #tpu.memory_space<vmem>>, vector<2048x1xi32>
      tpu.vector_store %arg5[%swap3A_127, %swap3A_128], %get3A_126 {strides = array<i32>} : memref<2048x1xi32, #tpu.memory_space<vmem>>, vector<2048x1xi32>,
    } else {
    }
    return
  }
  func.func @transform_0(%arg0: i32, %arg1: i32) -> (i32, i32) {
    %c0_i32 = arith.constant 0 : i32
    %c0_i32_0 = arith.constant 0 : i32
    return %arg0, %c0_i32 : i32, i32
  }
  func.func @transform_1(%arg0: i32, %arg1: i32) -> (i32, i32) {
    %c0_i32 = arith.constant 0 : i32
    %c0_i32_0 = arith.constant 0 : i32
    return %c0_i32, %arg1 : i32, i32
  }
  func.func @transform_2(%arg0: i32, %arg1: i32) -> (i32, i32) {
    %c0_i32 = arith.constant 0 : i32
    %c0_i32_0 = arith.constant 0 : i32
    return %arg0, %c0_i32 : i32, i32
  }
  func.func @transform_3(%arg0: i32, %arg1: i32) -> (i32, i32) {
    %c0_i32 = arith.constant 0 : i32
    %c0_i32_0 = arith.constant 0 : i32
    return %arg0, %c0_i32 : i32, i32
  }
}

module attributes {stable_mosaic.version = 14 : i64} {
  func.func @_finalize_body(%arg0: i32, %arg1: memref<1024x256xf32, #tpu.memory_space<vmem>>, %arg2: memref<1024x256xf32, #tpu.memory_space<vmem>>, %arg3: memref<2x8192xf32, #tpu.memory_space<vmem>>, %arg4: memref<1024x256xf32, #tpu.memory_space<vmem>>, %arg5: memref<1x1xf32, #tpu.memory_space<vmem>>, %arg6: memref<1x1xf32, #tpu.memory_space<vmem>>, %arg7: memref<1x1xf32, #tpu.memory_space<smem>>) attributes {dimension_semantics = [#tpu.dimension_semantics<arbitrary>], iteration_bounds = array<i64: 8>, scalar_prefetch = 0 : i64, scratch_operands = 1 : i64, tpu.core_type = #tpu.core_type<tc>, window_params = [{transform_indices = @transform_0, window_bounds = array<i64: 1024, 256>}, {transform_indices = @transform_1, window_bounds = array<i64: 1024, 256>}, {pipeline_mode = #tpu.pipeline_mode<synchronous>, transform_indices = @transform_2, window_bounds = array<i64: 2, 8192>}, {transform_indices = @transform_3, window_bounds = array<i64: 1024, 256>}, {pipeline_mode = #tpu.pipeline_mode<synchronous>, transform_indices = @transform_4, window_bounds = array<i64: 1, 1>}, {pipeline_mode = #tpu.pipeline_mode<synchronous>, transform_indices = @transform_5, window_bounds = array<i64: 1, 1>}]} {
    %get3A = arith.constant 0 : index
    %get3A_0 = arith.constant 0 : index
    %get3A_1 = vector.load %arg1[%get3A, %get3A_0] : memref<1024x256xf32, #tpu.memory_space<vmem>>, vector<1024x256xf32>
    %get3A_2 = arith.constant 0 : index
    %get3A_3 = arith.constant 0 : index
    %get3A_4 = vector.load %arg2[%get3A_2, %get3A_3] : memref<1024x256xf32, #tpu.memory_space<vmem>>, vector<1024x256xf32>
    %sub3A = arith.subf %get3A_4, %get3A_1 : vector<1024x256xf32>
    %add3A = arith.addf %get3A_1, %sub3A : vector<1024x256xf32>
    %swap3A = arith.constant 0 : index
    %swap3A_5 = arith.constant 0 : index
    %swap3A_6 = vector.load %arg4[%swap3A, %swap3A_5] : memref<1024x256xf32, #tpu.memory_space<vmem>>, vector<1024x256xf32>
    tpu.vector_store %arg4[%swap3A, %swap3A_5], %add3A {strides = array<i32>} : memref<1024x256xf32, #tpu.memory_space<vmem>>, vector<1024x256xf32>,
    %mul3A = arith.mulf %sub3A, %sub3A : vector<1024x256xf32>
    %reduce_sum3A = vector.shape_cast %mul3A : vector<1024x256xf32> to vector<1x1024x256xf32>
    %reduce_sum3A_7 = arith.constant dense<0.000000e+00> : vector<1xf32>
    %reduce_sum3A_8 = vector.multi_reduction <add>, %reduce_sum3A, %reduce_sum3A_7 [1, 2] : vector<1x1024x256xf32> to vector<1xf32>
    %reduce_sum3A_9 = vector.shape_cast %reduce_sum3A_8 : vector<1xf32> to vector<1x1x1xf32>
    %reduce_sum3A_10 = vector.extract %reduce_sum3A_9[0, 0, 0] : f32 from vector<1x1x1xf32>
    %eq3A = arith.constant 0 : i32
    %eq3A_11 = arith.cmpi eq, %arg0, %eq3A : i32
    %convert_element_type3A = arith.extui %eq3A_11 : i1 to i32
    %cond3A = arith.constant 0 : i32
    %cond3A_12 = arith.cmpi ne, %convert_element_type3A, %cond3A : i32
    scf.if %cond3A_12 {
      %swap3A_22 = arith.constant 0 : index
      %swap3A_23 = arith.constant 0 : index
      %swap3A_24 = memref.load %arg7[%swap3A_22, %swap3A_23] : memref<1x1xf32, #tpu.memory_space<smem>>
      memref.store %reduce_sum3A_10, %arg7[%swap3A_22, %swap3A_23] : memref<1x1xf32, #tpu.memory_space<smem>>
    } else {
    }
    %gt3A = arith.constant 0 : i32
    %gt3A_13 = arith.cmpi sgt, %arg0, %gt3A : i32
    %convert_element_type3A_14 = arith.extui %gt3A_13 : i1 to i32
    %cond3A_15 = arith.constant 0 : i32
    %cond3A_16 = arith.cmpi ne, %convert_element_type3A_14, %cond3A_15 : i32
    scf.if %cond3A_16 {
      %get3A_22 = arith.constant 0 : index
      %get3A_23 = arith.constant 0 : index
      %get3A_24 = memref.load %arg7[%get3A_22, %get3A_23] : memref<1x1xf32, #tpu.memory_space<smem>>
      %add3A_25 = arith.addf %get3A_24, %reduce_sum3A_10 : f32
      %swap3A_26 = arith.constant 0 : index
      %swap3A_27 = arith.constant 0 : index
      %swap3A_28 = memref.load %arg7[%swap3A_26, %swap3A_27] : memref<1x1xf32, #tpu.memory_space<smem>>
      memref.store %add3A_25, %arg7[%swap3A_26, %swap3A_27] : memref<1x1xf32, #tpu.memory_space<smem>>
    } else {
    }
    %eq3A_17 = arith.constant 7 : i32
    %eq3A_18 = arith.cmpi eq, %arg0, %eq3A_17 : i32
    %convert_element_type3A_19 = arith.extui %eq3A_18 : i1 to i32
    %cond3A_20 = arith.constant 0 : i32
    %cond3A_21 = arith.cmpi ne, %convert_element_type3A_19, %cond3A_20 : i32
    scf.if %cond3A_21 {
      %get3A_22 = arith.constant 0 : index
      %get3A_23 = arith.constant 0 : index
      %get3A_24 = memref.load %arg7[%get3A_22, %get3A_23] : memref<1x1xf32, #tpu.memory_space<smem>>
      %div3A = arith.constant 0x4A000000 : f32
      %div3A_25 = arith.divf %get3A_24, %div3A : f32
      %reshape3A = vector.broadcast %div3A_25 : f32 to vector<1x1xf32>
      %swap3A_26 = arith.constant 0 : index
      %swap3A_27 = arith.constant 0 : index
      %swap3A_28 = vector.load %arg5[%swap3A_26, %swap3A_27] : memref<1x1xf32, #tpu.memory_space<vmem>>, vector<1x1xf32>
      tpu.vector_store %arg5[%swap3A_26, %swap3A_27], %reshape3A {strides = array<i32>} : memref<1x1xf32, #tpu.memory_space<vmem>>, vector<1x1xf32>,
      %get3A_29 = arith.constant 0 : index
      %get3A_30 = arith.constant 0 : index
      %get3A_31 = vector.load %arg3[%get3A_29, %get3A_30] : memref<2x8192xf32, #tpu.memory_space<vmem>>, vector<1x8192xf32>
      %get3A_32 = arith.constant 1 : index
      %get3A_33 = arith.constant 0 : index
      %get3A_34 = vector.load %arg3[%get3A_32, %get3A_33] : memref<2x8192xf32, #tpu.memory_space<vmem>>, vector<1x8192xf32>
      %add3A_35 = arith.addf %get3A_31, %get3A_34 : vector<1x8192xf32>
      %mul3A_36 = arith.constant 1.22070313E-4 : f32
      %mul3A_37 = vector.broadcast %mul3A_36 : f32 to vector<1x8192xf32>
      %mul3A_38 = arith.mulf %add3A_35, %mul3A_37 : vector<1x8192xf32>
      %add3A_39 = arith.constant 1.000000e-10 : f32
      %add3A_40 = vector.broadcast %add3A_39 : f32 to vector<1x8192xf32>
      %add3A_41 = arith.addf %mul3A_38, %add3A_40 : vector<1x8192xf32>
      %log3A = math.log %add3A_41 : vector<1x8192xf32>
      %mul3A_42 = arith.mulf %mul3A_38, %log3A : vector<1x8192xf32>
      %reduce_sum3A_43 = vector.shape_cast %mul3A_42 : vector<1x8192xf32> to vector<1x1x8192xf32>
      %reduce_sum3A_44 = arith.constant dense<0.000000e+00> : vector<1xf32>
      %reduce_sum3A_45 = vector.multi_reduction <add>, %reduce_sum3A_43, %reduce_sum3A_44 [1, 2] : vector<1x1x8192xf32> to vector<1xf32>
      %reduce_sum3A_46 = vector.shape_cast %reduce_sum3A_45 : vector<1xf32> to vector<1x1x1xf32>
      %reduce_sum3A_47 = vector.extract %reduce_sum3A_46[0, 0, 0] : f32 from vector<1x1x1xf32>
      %neg3A = arith.constant 0.000000e+00 : f32
      %neg3A_48 = arith.subf %neg3A, %reduce_sum3A_47 : f32
      %exp3A = math.exp %neg3A_48 : f32
      %reshape3A_49 = vector.broadcast %exp3A : f32 to vector<1x1xf32>
      %swap3A_50 = arith.constant 0 : index
      %swap3A_51 = arith.constant 0 : index
      %swap3A_52 = vector.load %arg6[%swap3A_50, %swap3A_51] : memref<1x1xf32, #tpu.memory_space<vmem>>, vector<1x1xf32>
      tpu.vector_store %arg6[%swap3A_50, %swap3A_51], %reshape3A_49 {strides = array<i32>} : memref<1x1xf32, #tpu.memory_space<vmem>>, vector<1x1xf32>,
    } else {
    }
    return
  }
  func.func @transform_0(%arg0: i32) -> (i32, i32) {
    %c0_i32 = arith.constant 0 : i32
    %c0_i32_0 = arith.constant 0 : i32
    return %arg0, %c0_i32 : i32, i32
  }
  func.func @transform_1(%arg0: i32) -> (i32, i32) {
    %c0_i32 = arith.constant 0 : i32
    %c0_i32_0 = arith.constant 0 : i32
    return %arg0, %c0_i32 : i32, i32
  }
  func.func @transform_2(%arg0: i32) -> (i32, i32) {
    %c0_i32 = arith.constant 0 : i32
    %c0_i32_0 = arith.constant 0 : i32
    %c0_i32_1 = arith.constant 0 : i32
    return %c0_i32, %c0_i32_0 : i32, i32
  }
  func.func @transform_3(%arg0: i32) -> (i32, i32) {
    %c0_i32 = arith.constant 0 : i32
    %c0_i32_0 = arith.constant 0 : i32
    return %arg0, %c0_i32 : i32, i32
  }
  func.func @transform_4(%arg0: i32) -> (i32, i32) {
    %c0_i32 = arith.constant 0 : i32
    %c0_i32_0 = arith.constant 0 : i32
    %c0_i32_1 = arith.constant 0 : i32
    return %c0_i32, %c0_i32_0 : i32, i32
  }
  func.func @transform_5(%arg0: i32) -> (i32, i32) {
    %c0_i32 = arith.constant 0 : i32
    %c0_i32_0 = arith.constant 0 : i32
    %c0_i32_1 = arith.constant 0 : i32
    return %c0_i32, %c0_i32_0 : i32, i32
  }
}

</mosaic_0001>

<sc_bundles>
// kernel: kernel.5.cloned.1.call-start
scs
__scs_entry_jumppad:
0x0: {  	(pc) =	sbr.rel $0x88, $3  }
0x1: {  	(tag) =	ssettag $0x0;
	lr =	simm.s32 $0x1  }
0x2: {  	[smem:$0x3F9F] =	sst lr;
	_ =	strace $0xD0000000  }
0x3: {  	_ = 	snop  }
0x4: {  	_ = 	snop  }
0x5: {  	_ = 	snop  }
0x6: {  	_ = 	snop  }
0x7: {  	_ = 	snop  }
__scs_overlays_trampoline_lowered:
0x8: {  	[smem:$0x3FAE] =	sst s0  }
0x9: {  	[smem:$0x3FAF] =	sst s1  }
0xa: {  	[smem:$0x3FB0] =	sst s2  }
0xb: {  	[smem:$0x3FB1] =	sst s3  }
0xc: {  	[smem:$0x3FB2] =	sst s4  }
0xd: {  	[smem:$0x3FB3] =	sst s5  }
0xe: {  	[smem:$0x3FB4] =	sst s6  }
0xf: {  	[smem:$0x3FB5] =	sst s7  }
0x10: {  	[smem:$0x3FB6] =	sst s8  }
0x11: {  	[smem:$0x3FB7] =	sst s9;
	s0 =	simm.s32 @!p0 $0x0  }
0x12: {  	s1 =	sld [smem:$0x3F9D];
	s0 =	simm.s32 @p0 $0x1  }
0x13: {  	[smem:$0x3FB8] =	sst s0;
	s0 =	simm.s32 @!p1 $0x0  }
0x14: {  	s2 =	sld [smem:$0x3F9C];
	s0 =	simm.s32 @p1 $0x1  }
0x15: {  	[smem:$0x3FB9] =	sst s0;
	s0 =	simm.s32 @!p2 $0x0  }
0x16: {  	s3 =	sld [smem:$0x3FDB];
	s0 =	simm.s32 @p2 $0x1  }
0x17: {  	s4 =	simm.s32 $0x1BF5;
	[smem:$0x3FBB] =	sst s0  }
0x18: {  	s0 =	sld [smem:$0x3F9E];
	_ =	swait.ge [sflag:s4], $0x0  }
0x19: {  	s7 =	sld [smem:$0x3F9F]  }
0x1a: {  	s8 =	sadd.s32 $0xFFFFE003, lr  }
0x1b: {  	s9 =	sadd.s32 $0xFFFFFEF7, lr;
	s5 =	simm.s32 $0xFFFFFFFF;
	p2 =	slt.u32 s8, $0xFFFFF086  }
0x1c: {  	p1 =	slt.u32 s9, $0xF7A;
	s5 =	simm.s32 @!p2 $0x0  }
0x1d: {  	s5 =	simm.s32 @p1 $0x1;
	p0 =	seq.s32 s7, s2  }
0x1e: {  	s7 =	smul.u32 @!p0 $0xF7A, s2;
	p2 =	seq.s32 @!p0 s5, $0x0  }
0x1f: {  	s9 =	smul.u32 $0xF7A, s1;
	s8 =	simm.s32 @!p0 $0x1BF5;
	p2 =	por !p2, p0  }
0x20: {  	[sflag:s8] =	ssyncset.s32 @!p0 $0xFFFFF086;
	s6 =	sadd.s32 @!p0 s3, s7;
	s7 =	simm.s32 @!p0 $0x108  }
0x21: {  	s3 =	sadd.s32 s3, s9;
	s6 =	sadd.s32 @!p0 $0x88, s6;
	s7 =	simm.s32 @p2 $0x1082  }
0x22: {  	[simem:s7], [sflag:s8] =	dma.local @!p0 [hbm:s6], $0xF7A  }
0x23: {  	s9 =	sor.u32 $0xD0000000, s2;
	s6 =	simm.s32 $0x108;
	_ =	swait.ge @!p0 [sflag:s8], $0x0  }
0x24: {  	s3 =	sadd.s32 $0x88, s3;
	s6 =	simm.s32 @!p1 $0x1082;
	[sflag:s4] =	ssyncset.s32 $0xFFFFF086  }
0x25: {  	[simem:s6], [sflag:s4] =	dma.local [hbm:s3], $0xF7A  }
0x26: {  	[smem:$0x3F9F] =	sst s1;
	(tag) =	ssettag s2;
	_ =	strace s9  }
0x27: {  	s1 =	sld [smem:$0x3FAF]  }
0x28: {  	s2 =	sld [smem:$0x3FB0]  }
0x29: {  	s4 =	sld [smem:$0x3FB2]  }
0x2a: {  	p0 =	seq.s32 s5, $0x0;
	s5 =	sld [smem:$0x3FB3]  }
0x2b: {  	s6 =	sld [smem:$0x3FB4]  }
0x2c: {  	s7 =	sld [smem:$0x3FB5]  }
0x2d: {  	s3 =	simm.s32 $0x108;
	s8 =	sld [smem:$0x3FB6]  }
0x2e: {  	s3 =	simm.s32 @!p0 $0x1082;
	s9 =	sld [smem:$0x3FB7]  }
0x2f: {  	lr =	sadd.s32 s0, s3;
	s0 =	sld [smem:$0x3FAE]  }
0x30: {  	s3 =	sld [smem:$0x3FB1]  }
0x31: {  	[smem:$0x3FBA] =	sst s10  }
0x32: {  	s10 =	sld [smem:$0x3FB8];
	_ =	sdelay $0x3  }
0x33: {  	p0 =	seq.s32 s10, $0x1;
	s10 =	sld [smem:$0x3FBA];
	_ =	sdelay $0x3  }
0x34: {  	[smem:$0x3FBA] =	sst s10  }
0x35: {  	s10 =	sld [smem:$0x3FB9];
	_ =	sdelay $0x3  }
0x36: {  	p1 =	seq.s32 s10, $0x1;
	s10 =	sld [smem:$0x3FBA];
	_ =	sdelay $0x3  }
0x37: {  	[smem:$0x3FBA] =	sst s10  }
0x38: {  	s10 =	sld [smem:$0x3FBB]  }
0x39: {  	_ = 	snop;
	(pc) =	sbr.ind lr, $3  }
0x3a: {  	_ = 	snop  }
0x3b: {  	_ = 	snop  }
0x3c: {  	p2 =	seq.s32 s10, $0x1;
	s10 =	sld [smem:$0x3FBA]  }
0x3d: {  	_ =	shalt  }
0x3e: {  	_ =	shalt  }
0x3f: {  	_ =	shalt  }
0x40: {  	_ =	shalt  }
0x41: {  	_ =	shalt  }
0x42: {  	_ =	shalt  }
0x43: {  	_ =	shalt  }
0x44: {  	_ =	shalt  }
0x45: {  	_ =	shalt  }
0x46: {  	_ =	shalt  }
0x47: {  	_ =	shalt  }
0x48: {  	_ =	shalt  }
0x49: {  	_ =	shalt  }
0x4a: {  	_ =	shalt  }
0x4b: {  	_ =	shalt  }
0x4c: {  	_ =	shalt  }
0x4d: {  	_ =	shalt  }
0x4e: {  	_ =	shalt  }
0x4f: {  	_ =	shalt  }
0x50: {  	_ =	shalt  }
0x51: {  	_ =	shalt  }
0x52: {  	_ =	shalt  }
0x53: {  	_ =	shalt  }
0x54: {  	_ =	shalt  }
0x55: {  	_ =	shalt  }
0x56: {  	_ =	shalt  }
0x57: {  	_ =	shalt  }
0x58: {  	_ =	shalt  }
0x59: {  	_ =	shalt  }
0x5a: {  	_ =	shalt  }
0x5b: {  	_ =	shalt  }
0x5c: {  	_ =	shalt  }
0x5d: {  	_ =	shalt  }
0x5e: {  	_ =	shalt  }
0x5f: {  	_ =	shalt  }
0x60: {  	_ =	shalt  }
0x61: {  	_ =	shalt  }
0x62: {  	_ =	shalt  }
0x63: {  	_ =	shalt  }
0x64: {  	_ =	shalt  }
0x65: {  	_ =	shalt  }
0x66: {  	_ =	shalt  }
0x67: {  	_ =	shalt  }
0x68: {  	_ =	shalt  }
0x69: {  	_ =	shalt  }
0x6a: {  	_ =	shalt  }
0x6b: {  	_ =	shalt  }
0x6c: {  	_ =	shalt  }
0x6d: {  	_ =	shalt  }
0x6e: {  	_ =	shalt  }
0x6f: {  	_ =	shalt  }
0x70: {  	_ =	shalt  }
0x71: {  	_ =	shalt  }
0x72: {  	_ =	shalt  }
0x73: {  	_ =	shalt  }
0x74: {  	_ =	shalt  }
0x75: {  	_ =	shalt  }
0x76: {  	_ =	shalt  }
0x77: {  	_ =	shalt  }
0x78: {  	_ =	shalt  }
0x79: {  	_ =	shalt  }
0x7a: {  	_ =	shalt  }
0x7b: {  	_ =	shalt  }
0x7c: {  	_ =	shalt  }
0x7d: {  	_ =	shalt  }
0x7e: {  	_ =	shalt  }
0x7f: {  	_ =	shalt  }
0x80: {  	_ =	shalt  }
0x81: {  	_ =	shalt  }
0x82: {  	_ =	shalt  }
0x83: {  	_ =	shalt  }
0x84: {  	_ =	shalt  }
0x85: {  	_ =	shalt  }
0x86: {  	_ =	shalt  }
0x87: {  	_ =	shalt  }
.Lfunc_end0:
.L_simem_size_0:
called_computation_lowered:
.L_overlay_start_0:
0x88: {  	s2 =	sld [smem:$0x3FD9]  }
0x89: {  	s3 =	sld [smem:$0x3FFE];
	_ =	sdelay $0x1  }
0x8a: {  	s1 =	srdreg.scid  }
0x8b: {  	s0 =	sand.u32 $0x1, s1  }
0x8c: {  	s14 =	sshll.u32 s0, $0xA;
	s2 =	sadd.s32 s3, s2  }
0x8d: {  	s2 =	sadd.s32 s2, s14  }
0x8e: {  	[smem:$0x3FC6] =	sst s2  }
0x8f: {  	_ = 	snop  }
0x90: {  	s2 =	sld [smem:$0x3FD0];
	_ =	sdelay $0x2  }
0x91: {  	s15 =	simm.s32 $0xA;
	s4 =	simm.s32 $0x10  }
0x92: {  	[smem:s4], [sflag:s15] =	dma.local [hbm:s2], $0x1  }
0x93: {  	_ =	swait.eq [sflag:s15], $0x1  }
0x94: {  	[sflag:s15] =	ssyncset.done $0x0  }
0x95: {  	[sflag:s15] =	ssyncadd.s32 $0xFFFFFFFF  }
0x96: {  	s16 =	sld [smem:$0x10];
	(tm) =	ssettm $0x1  }
0x97: {  	s17 =	sld [smem:$0x3FFB];
	_ =	sdelay $0x3  }
0x98: {  	_ =	strace s17  }
0x99: {  	s3 =	sld [smem:$0x3FFC];
	_ =	sdelay $0x3  }
0x9a: {  	_ =	strace s3  }
0x9b: {  	s3 =	sld [smem:$0x3FFD];
	_ =	sdelay $0x3  }
0x9c: {  	_ =	strace s3  }
0x9d: {  	_ =	strace $0x8FFFFFFF  }
0x9e: {  	s18 =	sld [smem:$0x3FDB];
	_ =	sdelay $0x1  }
0x9f: {  	s19 =	simm.s32 $_scs_section_size  }
0xa0: {  	s5 =	simm.s32 $_size__tile_overlayer_lowered;
	s6 =	simm.s32 $_tile_overlayer_lowered  }
0xa1: {  	s22 =	simm.s32 $0x1BFF;
	s21 =	sshll.u32 s6, $0x1;
	s3 =	sadd.s32 s19, s18  }
0xa2: {  	s7 =	simm.s32 $0x0;
	s20 =	sshll.u32 s5, $0x1;
	s5 =	sadd.s32 s21, s3  }
0xa3: {  	[timem:s7], [sflag:s22] =	dma.local [hbm:s5], s20  }
0xa4: {  	_ =	swait.ge [sflag:s22], s20  }
0xa5: {  	s4 =	ssub.s32 $0x0, s20;
	[sflag:s22] =	ssyncset.done $0x0  }
0xa6: {  	[sflag:s22] =	ssyncadd.s32 s4;
	_ =	sdelay $0x1  }
0xa7: {  	s23 =	simm.s32 $0x1B8B  }
0xa8: {  	_ =	swait.ge [sflag:s23], $0x1  }
0xa9: {  	[sflag:s23] =	ssyncset.done $0x0  }
0xaa: {  	s25 =	simm.s32 $0x1B8E;
	s24 =	sld [smem:$0x3FFE];
	[sflag:s23] =	ssyncadd.s32 $0xFFFFFFFF  }
0xab: {  	s26 =	simm.s32 $execute0_lowered;
	[smem:$0x3FD2] =	sst s25  }
0xac: {  	s5 =	sshll.u32 s26, $0x1;
	_ =	strace $0x80000046;
	[dreg:$0x1] =	wrdreg $0xFFFFFFFF  }
0xad: {  	s28 =	simm.s32 $_size_execute0_lowered;
	s3 =	sadd.s32 s3, s5;
	[dreg:$0x0] =	wrdreg $0x0  }
0xae: {  	s5 =	sshll.u32 s28, $0x1;
	[dreg:$0x2] =	wrdreg s3  }
0xaf: {  	[dreg:$0x3] =	wrdreg s5  }
0xb0: {  	[dreg:$0x4] =	wrdreg $0xC0  }
0xb1: {  	_ =	task [dreg:s7], $0x5FFFF  }
0xb2: {  	[dreg:$0x1] =	wrdreg $0xFFFFFFFF  }
0xb3: {  	[dreg:$0x0] =	wrdreg $0x60  }
0xb4: {  	[dreg:$0x2] =	wrdreg s16  }
0xb5: {  	[dreg:$0x3] =	wrdreg s24  }
0xb6: {  	[dreg:$0x4] =	wrdreg $0x104000  }
0xb7: {  	[dreg:$0x5] =	wrdreg $0x9  }
0xb8: {  	_ =	task.clear_ibuf [dreg:s7], $0x6FFFF;
	_ =	strace $0x90000046  }
0xb9: {  	s29 =	simm.s32 $0x9;
	_ =	strace $0x80000048  }
0xba: {  	_ =	swait.ge [sflag:s29], $0x1  }
0xbb: {  	[sflag:s29] =	ssyncadd.s32 $0xFFFFFFFF  }
0xbc: {  	_ =	strace $0x90000048  }
0xbd: {  	_ =	sfence  }
0xbe: {  	s30 =	sld [smem:$0x0];
	_ =	sdelay $0x2  }
0xbf: {  	s31 =	sshll.u32 s1, $0xD;
	s1 =	sshrl.u32 s1, $0x2  }
0xc0: {  	s3 =	sand.u32 $0x4000, s31;
	s1 =	sadd.s32 s1, s30  }
0xc1: {  	s0 =	sor.u32 s3, s0;
	s1 =	sshll.u32 s1, $0x11  }
0xc2: {  	s0 =	sor.u32 s1, s0  }
0xc3: {  	s0 =	sadd.s32 $0x8F2B, s0  }
0xc4: {  	[sflag:s0] =	ssyncadd.remote.s32 $0x1  }
0xc5: {  	_ =	sfence.sel $0xFFFF  }
0xc6: {  	[dreg:$0x0] =	wrdreg $0xFFFFFFFF;
	(pc) =	sbr.abs _section_cstart, $3  }
0xc7: {  	[dreg:$0x1] =	wrdreg $0xFFFFFFFF  }
0xc8: {  	_ =	task.clear_ibuf [dreg:s7], $0x2FFFF;
	_ =	strace $0x9FFFFFFF  }
0xc9: {  	(tm) =	ssettm $0x7FFFFFFF  }
tec
execute0_lowered:
.L_overlay_start_1:
0x0: {  	(tag) =	ssettag $0x1  }
0x1: {  	s0 =	rddreg [dreg:$0x0]  }
0x2: {  	s6 =	rddreg [dreg:$0x1]  }
0x3: {  	s2 =	rddreg [dreg:$0x2];
	s3 =	simm.s32 $0x0  }
0x4: {  	s15 =	simm.s32 $0x900;
	[smem:$0x7FF] =	sst s3  }
0x5: {  	s16 =	simm.s32 $0x1100;
	_ =	strace $0x80000047;
	[dreg:$0x8] =	wrdreg s15  }
0x6: {  	s17 =	simm.s32 $0x1900;
	[dreg:$0x9] =	wrdreg s16  }
0x7: {  	s18 =	simm.s32 $0x2100;
	[dreg:$0xa] =	wrdreg s17  }
0x8: {  	s1 =	srdreg.scid;
	s19 =	simm.s32 $0x2900;
	[dreg:$0xb] =	wrdreg s18  }
0x9: {  	s5 =	stileid.u32;
	s20 =	simm.s32 $0x3100;
	[dreg:$0xc] =	wrdreg s19  }
0xa: {  	s21 =	simm.s32 $0x3900;
	s22 =	simm.s32 $0x4100;
	[dreg:$0xd] =	wrdreg s20  }
0xb: {  	s23 =	simm.s32 $0x4900;
	s24 =	simm.s32 $0x5100;
	[dreg:$0xe] =	wrdreg s21  }
0xc: {  	s26 =	simm.s32 $0x5900;
	s28 =	simm.s32 $0x6100;
	[dreg:$0xf] =	wrdreg s22  }
0xd: {  	s29 =	simm.s32 $0x6900;
	s30 =	simm.s32 $0x7100;
	[dreg:$0x10] =	wrdreg s23  }
0xe: {  	s31 =	simm.s32 $0x7900;
	s11 =	simm.s32 $0xA100;
	[dreg:$0x11] =	wrdreg s24  }
0xf: {  	s12 =	simm.s32 $0xA900;
	s13 =	simm.s32 $0xB100;
	[dreg:$0x12] =	wrdreg s26  }
0x10: {  	s14 =	simm.s32 $0xB900;
	s4 =	sand.u32 $0x1, s1;
	[dreg:$0x13] =	wrdreg s28  }
0x11: {  	s7 =	sshll.u32 s5, $0x9;
	p0 =	sne.s32 s5, $0x0;
	[dreg:$0x14] =	wrdreg s29  }
0x12: {  	s5 =	simm.s32 $0x2;
	s1 =	sshll.u32 s4, $0x8;
	[dreg:$0x15] =	wrdreg s30  }
0x13: {  	s10 =	sshll.u32 s4, $0x4;
	s4 =	ssub.s32 $0x2, s4;
	[dreg:$0x16] =	wrdreg s31  }
0x14: {  	s15 =	simm.s32 $0xC100;
	s16 =	simm.s32 $0xC900;
	s17 =	simm.s32 $0xD100  }
0x15: {  	s18 =	simm.s32 $0xD900;
	s19 =	simm.s32 $0xE100;
	s20 =	simm.s32 $0xE900  }
0x16: {  	s21 =	simm.s32 $0xF100;
	s22 =	simm.s32 $0xF900;
	s23 =	simm.s32 $0x1  }
0x17: {  	s24 =	simm.s32 $0x10200;
	s8 =	sor.u32 s1, s7;
	s7 =	sadd.s32 s7, s2  }
0x18: {  	s25 =	sshrl.u32 s4, $0x1;
	s9 =	sshrl.u32 s8, $0x3;
	s8 =	sshll.u32 s8, $0x5  }
0x19: {  	[dreg:$0x6] =	wrdreg s7;
	s4 =	ssub.s32 s4, s25;
	s9 =	sadd.s32 s9, s6  }
0x1a: {  	s7 =	simm.s32 $0x8100;
	s8 =	sadd.s32 s8, s6;
	s9 =	sadd.s32 $0xE00, s9  }
0x1b: {  	s6 =	sadd.s32 s10, s6;
	s8 =	sadd.s32 $0x1200, s8;
	[dreg:$0x4] =	wrdreg s9  }
0x1c: {  	v0 =	vimm.f32 $1.000000000e+00;
	v4 =	vlaneseq.u32;
	s25 =	simm.s32 $0x10100;
	s6 =	sadd.s32 $0x41200, s6;
	[dreg:$0x5] =	wrdreg s8  }
0x1d: {  	v1 =	vimm.f32 $0.0e+00;
	vm0 =	vmmov $0xffff;
	v3 =	vshrl.u32 v4, $0x3;
	s4 =	smax.u32 s4, $0x1;
	s10 =	simm.s32 $0x9900;
	[dreg:$0x7] =	wrdreg s6  }
0x1e: {  	v2 =	vand.u32 $0x7, v4;
	v4 =	vor.u32 $0x8, v4;
	v3 =	vmul.u32 $0x8, v3;
	s6 =	simm.s32 $0x100;
	s8 =	simm.s32 $0x8900;
	s9 =	simm.s32 $0x9100  }
.LBB2_1:
0x1f: {  	[tilespmem:$0x10100] =	vst v0  }
0x20: {  	[tilespmem:$0x10110] =	vst v0  }
0x21: {  	[tilespmem:$0x10120] =	vst v0  }
0x22: {  	[tilespmem:$0x10130] =	vst v0  }
0x23: {  	[tilespmem:$0x10140] =	vst v0  }
0x24: {  	[tilespmem:$0x10150] =	vst v0  }
0x25: {  	[tilespmem:$0x10160] =	vst v0  }
0x26: {  	[tilespmem:$0x10170] =	vst v0  }
0x27: {  	[tilespmem:$0x10180] =	vst v0  }
0x28: {  	[tilespmem:$0x10190] =	vst v0  }
0x29: {  	[tilespmem:$0x101A0] =	vst v0  }
0x2a: {  	[tilespmem:$0x101B0] =	vst v0  }
0x2b: {  	[tilespmem:$0x101C0] =	vst v0  }
0x2c: {  	[tilespmem:$0x101D0] =	vst v0  }
0x2d: {  	[tilespmem:$0x101E0] =	vst v0  }
0x2e: {  	[tilespmem:$0x101F0] =	vst v0  }
0x2f: {  	[tilespmem:$0x10200] =	vst v1  }
0x30: {  	[tilespmem:$0x10210] =	vst v1  }
0x31: {  	[tilespmem:$0x10220] =	vst v1  }
0x32: {  	[tilespmem:$0x10230] =	vst v1  }
0x33: {  	[tilespmem:$0x10240] =	vst v1  }
0x34: {  	[tilespmem:$0x10250] =	vst v1  }
0x35: {  	[tilespmem:$0x10260] =	vst v1  }
0x36: {  	[tilespmem:$0x10270] =	vst v1  }
0x37: {  	[tilespmem:$0x10280] =	vst v1  }
0x38: {  	[tilespmem:$0x10290] =	vst v1  }
0x39: {  	[tilespmem:$0x102A0] =	vst v1  }
0x3a: {  	[tilespmem:$0x102B0] =	vst v1  }
0x3b: {  	[tilespmem:$0x102C0] =	vst v1  }
0x3c: {  	[tilespmem:$0x102D0] =	vst v1  }
0x3d: {  	[tilespmem:$0x102E0] =	vst v1  }
0x3e: {  	[tilespmem:$0x102F0] =	vst v1  }
0x3f: {  	[tilespmem:$0x10300] =	vst v1  }
0x40: {  	[tilespmem:$0x10310] =	vst v1  }
0x41: {  	[tilespmem:$0x10320] =	vst v1  }
0x42: {  	[tilespmem:$0x10330] =	vst v1  }
0x43: {  	[tilespmem:$0x10340] =	vst v1  }
0x44: {  	[tilespmem:$0x10350] =	vst v1  }
0x45: {  	[tilespmem:$0x10360] =	vst v1  }
0x46: {  	[tilespmem:$0x10370] =	vst v1  }
0x47: {  	[tilespmem:$0x10380] =	vst v1  }
0x48: {  	[tilespmem:$0x10390] =	vst v1  }
0x49: {  	[tilespmem:$0x103A0] =	vst v1  }
0x4a: {  	[tilespmem:$0x103B0] =	vst v1  }
0x4b: {  	[tilespmem:$0x103C0] =	vst v1  }
0x4c: {  	[tilespmem:$0x103D0] =	vst v1  }
0x4d: {  	[tilespmem:$0x103E0] =	vst v1  }
0x4e: {  	s26 =	rddreg [dreg:$0x4];
	[tilespmem:$0x103F0] =	vst v1  }
0x4f: {  	[tilespmem:s3], [sflag:$0x2] =	stream.linear.gather [hbm4b:s26+s3], $0x100, $0x38;
	[tilespmem:$0x10600] =	vst v63  }
0x50: {  	_ =	swait.ge [sflag:s5], $0x100  }
0x51: {  	[sflag:s5] =	ssyncset.done $0x0  }
0x52: {  	[sflag:s5] =	ssyncadd.s32 $0xFFFFFF00  }
0x53: {  	v5 =	vld [tilespmem:$0x0];
	_ =	sdelay $0x4  }
0x54: {  	v6 =	vshll.u32 v5, $0x1  }
0x55: {  	v5 =	vand.u32 $0x7, v5;
	v6 =	vand.u32 $0xFFFFFFF0, v6  }
0x56: {  	v5 =	vor.u32 v5, v6  }
0x57: {  	v6 =	vperm.xlane v5, v2;
	_ =	sdelay $0x1  }
0x58: {  	v5 =	vperm.xlane v5, v4;
	v6 =	vadd.s32 v3, v6;
	_ =	sdelay $0x1  }
0x59: {  	v5 =	vadd.s32 v3, v5;
	_ =	sdelay $0x2  }
0x5a: {  	[tilespmem:s6], [sflag:$0x1] =	stream.indirect_vreg.gather [hbm4b:s0+s3], $0x80, v6, vm0, $0xb8;
	[tilespmem:$0x10600] =	vst v63  }
0x5b: {  	s28 =	rddreg [dreg:$0x8]  }
0x5c: {  	[tilespmem:s28], [sflag:$0x1] =	stream.indirect_vreg.gather [hbm4b:s0+s3], $0x80, v5, vm0, $0xb8;
	[tilespmem:$0x10600] =	vst v63  }
0x5d: {  	v5 =	vld [tilespmem:$0x10];
	_ =	sdelay $0x4  }
0x5e: {  	v6 =	vshll.u32 v5, $0x1  }
0x5f: {  	v5 =	vand.u32 $0x7, v5;
	v6 =	vand.u32 $0xFFFFFFF0, v6  }
0x60: {  	v5 =	vor.u32 v5, v6  }
0x61: {  	v6 =	vperm.xlane v5, v2;
	_ =	sdelay $0x1  }
0x62: {  	v5 =	vperm.xlane v5, v4;
	v6 =	vadd.s32 v3, v6;
	_ =	sdelay $0x1  }
0x63: {  	v5 =	vadd.s32 v3, v5;
	_ =	sdelay $0x1  }
0x64: {  	s29 =	rddreg [dreg:$0x9]  }
0x65: {  	[tilespmem:s29], [sflag:$0x1] =	stream.indirect_vreg.gather [hbm4b:s0+s3], $0x80, v6, vm0, $0xb8;
	[tilespmem:$0x10600] =	vst v63  }
0x66: {  	s28 =	rddreg [dreg:$0xa]  }
0x67: {  	[tilespmem:s28], [sflag:$0x1] =	stream.indirect_vreg.gather [hbm4b:s0+s3], $0x80, v5, vm0, $0xb8;
	[tilespmem:$0x10600] =	vst v63  }
0x68: {  	v5 =	vld [tilespmem:$0x20];
	_ =	sdelay $0x4  }
0x69: {  	v6 =	vshll.u32 v5, $0x1  }
0x6a: {  	v5 =	vand.u32 $0x7, v5;
	v6 =	vand.u32 $0xFFFFFFF0, v6  }
0x6b: {  	v5 =	vor.u32 v5, v6  }
0x6c: {  	v6 =	vperm.xlane v5, v2;
	_ =	sdelay $0x1  }
0x6d: {  	v5 =	vperm.xlane v5, v4;
	v6 =	vadd.s32 v3, v6;
	_ =	sdelay $0x1  }
0x6e: {  	v5 =	vadd.s32 v3, v5;
	_ =	sdelay $0x1  }
0x6f: {  	s30 =	rddreg [dreg:$0xb]  }
0x70: {  	[tilespmem:s30], [sflag:$0x1] =	stream.indirect_vreg.gather [hbm4b:s0+s3], $0x80, v6, vm0, $0xb8;
	[tilespmem:$0x10600] =	vst v63  }
0x71: {  	s31 =	rddreg [dreg:$0xc]  }
0x72: {  	[tilespmem:s31], [sflag:$0x1] =	stream.indirect_vreg.gather [hbm4b:s0+s3], $0x80, v5, vm0, $0xb8;
	[tilespmem:$0x10600] =	vst v63  }
0x73: {  	v5 =	vld [tilespmem:$0x30];
	_ =	sdelay $0x4  }
0x74: {  	v6 =	vshll.u32 v5, $0x1  }
0x75: {  	v5 =	vand.u32 $0x7, v5;
	v6 =	vand.u32 $0xFFFFFFF0, v6  }
0x76: {  	v5 =	vor.u32 v5, v6  }
0x77: {  	v6 =	vperm.xlane v5, v2;
	_ =	sdelay $0x1  }
0x78: {  	v5 =	vperm.xlane v5, v4;
	v6 =	vadd.s32 v3, v6;
	_ =	sdelay $0x1  }
0x79: {  	v5 =	vadd.s32 v3, v5;
	_ =	sdelay $0x1  }
0x7a: {  	s1 =	rddreg [dreg:$0xd]  }
0x7b: {  	[tilespmem:s1], [sflag:$0x1] =	stream.indirect_vreg.gather [hbm4b:s0+s3], $0x80, v6, vm0, $0xb8;
	[tilespmem:$0x10600] =	vst v63  }
0x7c: {  	s29 =	rddreg [dreg:$0xe]  }
0x7d: {  	[tilespmem:s29], [sflag:$0x1] =	stream.indirect_vreg.gather [hbm4b:s0+s3], $0x80, v5, vm0, $0xb8;
	[tilespmem:$0x10600] =	vst v63  }
0x7e: {  	v5 =	vld [tilespmem:$0x40];
	_ =	sdelay $0x4  }
0x7f: {  	v6 =	vshll.u32 v5, $0x1  }
0x80: {  	v5 =	vand.u32 $0x7, v5;
	v6 =	vand.u32 $0xFFFFFFF0, v6  }
0x81: {  	v5 =	vor.u32 v5, v6  }
0x82: {  	v6 =	vperm.xlane v5, v2;
	_ =	sdelay $0x1  }
0x83: {  	v5 =	vperm.xlane v5, v4;
	v6 =	vadd.s32 v3, v6;
	_ =	sdelay $0x1  }
0x84: {  	v5 =	vadd.s32 v3, v5;
	_ =	sdelay $0x1  }
0x85: {  	s30 =	rddreg [dreg:$0xf]  }
0x86: {  	[tilespmem:s30], [sflag:$0x1] =	stream.indirect_vreg.gather [hbm4b:s0+s3], $0x80, v6, vm0, $0xb8;
	[tilespmem:$0x10600] =	vst v63  }
0x87: {  	s31 =	rddreg [dreg:$0x10]  }
0x88: {  	[tilespmem:s31], [sflag:$0x1] =	stream.indirect_vreg.gather [hbm4b:s0+s3], $0x80, v5, vm0, $0xb8;
	[tilespmem:$0x10600] =	vst v63  }
0x89: {  	v5 =	vld [tilespmem:$0x50];
	_ =	sdelay $0x4  }
0x8a: {  	v6 =	vshll.u32 v5, $0x1  }
0x8b: {  	v5 =	vand.u32 $0x7, v5;
	v6 =	vand.u32 $0xFFFFFFF0, v6  }
0x8c: {  	v5 =	vor.u32 v5, v6  }
0x8d: {  	v6 =	vperm.xlane v5, v2;
	_ =	sdelay $0x1  }
0x8e: {  	v5 =	vperm.xlane v5, v4;
	v6 =	vadd.s32 v3, v6;
	_ =	sdelay $0x1  }
0x8f: {  	v5 =	vadd.s32 v3, v5;
	_ =	sdelay $0x1  }
0x90: {  	s1 =	rddreg [dreg:$0x11]  }
0x91: {  	[tilespmem:s1], [sflag:$0x1] =	stream.indirect_vreg.gather [hbm4b:s0+s3], $0x80, v6, vm0, $0xb8;
	[tilespmem:$0x10600] =	vst v63  }
0x92: {  	s29 =	rddreg [dreg:$0x12]  }
0x93: {  	[tilespmem:s29], [sflag:$0x1] =	stream.indirect_vreg.gather [hbm4b:s0+s3], $0x80, v5, vm0, $0xb8;
	[tilespmem:$0x10600] =	vst v63  }
0x94: {  	v5 =	vld [tilespmem:$0x60];
	_ =	sdelay $0x4  }
0x95: {  	v6 =	vshll.u32 v5, $0x1  }
0x96: {  	v5 =	vand.u32 $0x7, v5;
	v6 =	vand.u32 $0xFFFFFFF0, v6  }
0x97: {  	v5 =	vor.u32 v5, v6  }
0x98: {  	v6 =	vperm.xlane v5, v2;
	_ =	sdelay $0x1  }
0x99: {  	v5 =	vperm.xlane v5, v4;
	v6 =	vadd.s32 v3, v6;
	_ =	sdelay $0x1  }
0x9a: {  	v5 =	vadd.s32 v3, v5;
	_ =	sdelay $0x1  }
0x9b: {  	s30 =	rddreg [dreg:$0x13]  }
0x9c: {  	[tilespmem:s30], [sflag:$0x1] =	stream.indirect_vreg.gather [hbm4b:s0+s3], $0x80, v6, vm0, $0xb8;
	[tilespmem:$0x10600] =	vst v63  }
0x9d: {  	s31 =	rddreg [dreg:$0x14]  }
0x9e: {  	[tilespmem:s31], [sflag:$0x1] =	stream.indirect_vreg.gather [hbm4b:s0+s3], $0x80, v5, vm0, $0xb8;
	[tilespmem:$0x10600] =	vst v63  }
0x9f: {  	v5 =	vld [tilespmem:$0x70];
	_ =	sdelay $0x4  }
0xa0: {  	v6 =	vshll.u32 v5, $0x1  }
0xa1: {  	v5 =	vand.u32 $0x7, v5;
	v6 =	vand.u32 $0xFFFFFFF0, v6  }
0xa2: {  	v5 =	vor.u32 v5, v6  }
0xa3: {  	v6 =	vperm.xlane v5, v2;
	_ =	sdelay $0x1  }
0xa4: {  	v5 =	vperm.xlane v5, v4;
	v6 =	vadd.s32 v3, v6;
	_ =	sdelay $0x1  }
0xa5: {  	v5 =	vadd.s32 v3, v5;
	_ =	sdelay $0x1  }
0xa6: {  	s1 =	rddreg [dreg:$0x15]  }
0xa7: {  	[tilespmem:s1], [sflag:$0x1] =	stream.indirect_vreg.gather [hbm4b:s0+s3], $0x80, v6, vm0, $0xb8;
	[tilespmem:$0x10600] =	vst v63  }
0xa8: {  	s29 =	rddreg [dreg:$0x16]  }
0xa9: {  	[tilespmem:s29], [sflag:$0x1] =	stream.indirect_vreg.gather [hbm4b:s0+s3], $0x80, v5, vm0, $0xb8;
	[tilespmem:$0x10600] =	vst v63  }
0xaa: {  	v5 =	vld [tilespmem:$0x80];
	_ =	sdelay $0x4  }
0xab: {  	v6 =	vshll.u32 v5, $0x1  }
0xac: {  	v5 =	vand.u32 $0x7, v5;
	v6 =	vand.u32 $0xFFFFFFF0, v6  }
0xad: {  	v5 =	vor.u32 v5, v6  }
0xae: {  	v6 =	vperm.xlane v5, v2;
	_ =	sdelay $0x1  }
0xaf: {  	v5 =	vperm.xlane v5, v4;
	v6 =	vadd.s32 v3, v6;
	_ =	sdelay $0x1  }
0xb0: {  	v5 =	vadd.s32 v3, v5;
	_ =	sdelay $0x2  }
0xb1: {  	[tilespmem:s7], [sflag:$0x1] =	stream.indirect_vreg.gather [hbm4b:s0+s3], $0x80, v6, vm0, $0xb8;
	[tilespmem:$0x10600] =	vst v63  }
0xb2: {  	_ = 	snop  }
0xb3: {  	[tilespmem:s8], [sflag:$0x1] =	stream.indirect_vreg.gather [hbm4b:s0+s3], $0x80, v5, vm0, $0xb8;
	[tilespmem:$0x10600] =	vst v63  }
0xb4: {  	v5 =	vld [tilespmem:$0x90];
	_ =	sdelay $0x4  }
0xb5: {  	v6 =	vshll.u32 v5, $0x1  }
0xb6: {  	v5 =	vand.u32 $0x7, v5;
	v6 =	vand.u32 $0xFFFFFFF0, v6  }
0xb7: {  	v5 =	vor.u32 v5, v6  }
0xb8: {  	v6 =	vperm.xlane v5, v2;
	_ =	sdelay $0x1  }
0xb9: {  	v5 =	vperm.xlane v5, v4;
	v6 =	vadd.s32 v3, v6;
	_ =	sdelay $0x1  }
0xba: {  	v5 =	vadd.s32 v3, v5;
	_ =	sdelay $0x2  }
0xbb: {  	[tilespmem:s9], [sflag:$0x1] =	stream.indirect_vreg.gather [hbm4b:s0+s3], $0x80, v6, vm0, $0xb8;
	[tilespmem:$0x10600] =	vst v63  }
0xbc: {  	_ = 	snop  }
0xbd: {  	[tilespmem:s10], [sflag:$0x1] =	stream.indirect_vreg.gather [hbm4b:s0+s3], $0x80, v5, vm0, $0xb8;
	[tilespmem:$0x10600] =	vst v63  }
0xbe: {  	v5 =	vld [tilespmem:$0xA0];
	_ =	sdelay $0x4  }
0xbf: {  	v6 =	vshll.u32 v5, $0x1  }
0xc0: {  	v5 =	vand.u32 $0x7, v5;
	v6 =	vand.u32 $0xFFFFFFF0, v6  }
0xc1: {  	v5 =	vor.u32 v5, v6  }
0xc2: {  	v6 =	vperm.xlane v5, v2;
	_ =	sdelay $0x1  }
0xc3: {  	v5 =	vperm.xlane v5, v4;
	v6 =	vadd.s32 v3, v6;
	_ =	sdelay $0x1  }
0xc4: {  	v5 =	vadd.s32 v3, v5;
	_ =	sdelay $0x2  }
0xc5: {  	[tilespmem:s11], [sflag:$0x1] =	stream.indirect_vreg.gather [hbm4b:s0+s3], $0x80, v6, vm0, $0xb8;
	[tilespmem:$0x10600] =	vst v63  }
0xc6: {  	_ = 	snop  }
0xc7: {  	[tilespmem:s12], [sflag:$0x1] =	stream.indirect_vreg.gather [hbm4b:s0+s3], $0x80, v5, vm0, $0xb8;
	[tilespmem:$0x10600] =	vst v63  }
0xc8: {  	v5 =	vld [tilespmem:$0xB0];
	_ =	sdelay $0x4  }
0xc9: {  	v6 =	vshll.u32 v5, $0x1  }
0xca: {  	v5 =	vand.u32 $0x7, v5;
	v6 =	vand.u32 $0xFFFFFFF0, v6  }
0xcb: {  	v5 =	vor.u32 v5, v6  }
0xcc: {  	v6 =	vperm.xlane v5, v2;
	_ =	sdelay $0x1  }
0xcd: {  	v5 =	vperm.xlane v5, v4;
	v6 =	vadd.s32 v3, v6;
	_ =	sdelay $0x1  }
0xce: {  	v5 =	vadd.s32 v3, v5;
	_ =	sdelay $0x2  }
0xcf: {  	[tilespmem:s13], [sflag:$0x1] =	stream.indirect_vreg.gather [hbm4b:s0+s3], $0x80, v6, vm0, $0xb8;
	[tilespmem:$0x10600] =	vst v63  }
0xd0: {  	_ = 	snop  }
0xd1: {  	[tilespmem:s14], [sflag:$0x1] =	stream.indirect_vreg.gather [hbm4b:s0+s3], $0x80, v5, vm0, $0xb8;
	[tilespmem:$0x10600] =	vst v63  }
0xd2: {  	v5 =	vld [tilespmem:$0xC0];
	_ =	sdelay $0x4  }
0xd3: {  	v6 =	vshll.u32 v5, $0x1  }
0xd4: {  	v5 =	vand.u32 $0x7, v5;
	v6 =	vand.u32 $0xFFFFFFF0, v6  }
0xd5: {  	v5 =	vor.u32 v5, v6  }
0xd6: {  	v6 =	vperm.xlane v5, v2;
	_ =	sdelay $0x1  }
0xd7: {  	v5 =	vperm.xlane v5, v4;
	v6 =	vadd.s32 v3, v6;
	_ =	sdelay $0x1  }
0xd8: {  	v5 =	vadd.s32 v3, v5;
	_ =	sdelay $0x2  }
0xd9: {  	[tilespmem:s15], [sflag:$0x1] =	stream.indirect_vreg.gather [hbm4b:s0+s3], $0x80, v6, vm0, $0xb8;
	[tilespmem:$0x10600] =	vst v63  }
0xda: {  	_ = 	snop  }
0xdb: {  	[tilespmem:s16], [sflag:$0x1] =	stream.indirect_vreg.gather [hbm4b:s0+s3], $0x80, v5, vm0, $0xb8;
	[tilespmem:$0x10600] =	vst v63  }
0xdc: {  	v5 =	vld [tilespmem:$0xD0];
	_ =	sdelay $0x4  }
0xdd: {  	v6 =	vshll.u32 v5, $0x1  }
0xde: {  	v5 =	vand.u32 $0x7, v5;
	v6 =	vand.u32 $0xFFFFFFF0, v6  }
0xdf: {  	v5 =	vor.u32 v5, v6  }
0xe0: {  	v6 =	vperm.xlane v5, v2;
	_ =	sdelay $0x1  }
0xe1: {  	v5 =	vperm.xlane v5, v4;
	v6 =	vadd.s32 v3, v6;
	_ =	sdelay $0x1  }
0xe2: {  	v5 =	vadd.s32 v3, v5;
	_ =	sdelay $0x2  }
0xe3: {  	[tilespmem:s17], [sflag:$0x1] =	stream.indirect_vreg.gather [hbm4b:s0+s3], $0x80, v6, vm0, $0xb8;
	[tilespmem:$0x10600] =	vst v63  }
0xe4: {  	_ = 	snop  }
0xe5: {  	[tilespmem:s18], [sflag:$0x1] =	stream.indirect_vreg.gather [hbm4b:s0+s3], $0x80, v5, vm0, $0xb8;
	[tilespmem:$0x10600] =	vst v63  }
0xe6: {  	v5 =	vld [tilespmem:$0xE0];
	_ =	sdelay $0x4  }
0xe7: {  	v6 =	vshll.u32 v5, $0x1  }
0xe8: {  	v5 =	vand.u32 $0x7, v5;
	v6 =	vand.u32 $0xFFFFFFF0, v6  }
0xe9: {  	v5 =	vor.u32 v5, v6  }
0xea: {  	v6 =	vperm.xlane v5, v2;
	_ =	sdelay $0x1  }
0xeb: {  	v5 =	vperm.xlane v5, v4;
	v6 =	vadd.s32 v3, v6;
	_ =	sdelay $0x1  }
0xec: {  	v5 =	vadd.s32 v3, v5;
	_ =	sdelay $0x2  }
0xed: {  	[tilespmem:s19], [sflag:$0x1] =	stream.indirect_vreg.gather [hbm4b:s0+s3], $0x80, v6, vm0, $0xb8;
	[tilespmem:$0x10600] =	vst v63  }
0xee: {  	_ = 	snop  }
0xef: {  	[tilespmem:s20], [sflag:$0x1] =	stream.indirect_vreg.gather [hbm4b:s0+s3], $0x80, v5, vm0, $0xb8;
	[tilespmem:$0x10600] =	vst v63  }
0xf0: {  	v5 =	vld [tilespmem:$0xF0];
	_ =	sdelay $0x4  }
0xf1: {  	v6 =	vshll.u32 v5, $0x1  }
0xf2: {  	v5 =	vand.u32 $0x7, v5;
	v6 =	vand.u32 $0xFFFFFFF0, v6  }
0xf3: {  	v5 =	vor.u32 v5, v6  }
0xf4: {  	v6 =	vperm.xlane v5, v2;
	_ =	sdelay $0x1  }
0xf5: {  	v5 =	vperm.xlane v5, v4;
	v6 =	vadd.s32 v3, v6;
	_ =	sdelay $0x1  }
0xf6: {  	v5 =	vadd.s32 v3, v5;
	_ =	sdelay $0x2  }
0xf7: {  	[tilespmem:s21], [sflag:$0x1] =	stream.indirect_vreg.gather [hbm4b:s0+s3], $0x80, v6, vm0, $0xb8;
	[tilespmem:$0x10600] =	vst v63  }
0xf8: {  	_ = 	snop  }
0xf9: {  	[tilespmem:s22], [sflag:$0x1] =	stream.indirect_vreg.gather [hbm4b:s0+s3], $0x80, v5, vm0, $0xb8;
	[tilespmem:$0x10600] =	vst v63  }
0xfa: {  	_ =	swait.ge [sflag:s23], $0x10000  }
0xfb: {  	[sflag:s23] =	ssyncset.done $0x0  }
0xfc: {  	s30 =	rddreg [dreg:$0x5];
	[sflag:s23] =	ssyncadd.s32 $0xFFFF0000  }
0xfd: {  	[hbm4b:s30+s3] =	stream.linear.scatter [tilespmem:s6], [sflag:$0x2], $0x10000, $0x38;
	[tilespmem:$0x10600] =	vst v63  }
0xfe: {  	_ =	swait.ge [sflag:s5], $0x10000  }
0xff: {  	[sflag:s5] =	ssyncset.done $0x0  }
0x100: {  	s31 =	rddreg [dreg:$0x6];
	[sflag:s5] =	ssyncadd.s32 $0xFFFF0000  }
0x101: {  	[spmem:s31] =	stream.linear.scatter [tilespmem:s24], [sflag:$0x2], $0x200, $0x38;
	[tilespmem:$0x10600] =	vst v63  }
0x102: {  	_ =	swait.ge [sflag:s5], $0x200  }
0x103: {  	[sflag:s5] =	ssyncset.done $0x0  }
0x104: {  	[sflag:s5] =	ssyncadd.s32 $0xFFFFFE00  }
0x105: {  	[bflag:$0x0] =	sbarrier.arrive $0xFFFF  }
0x106: {  	[spmem:s2] =	stream.indirect.scatter.add.f32 [tilespmem:s25], [sflag:$0x2], $0x1, s3, s6, $0xb8;
	[tilespmem:$0x10600] =	vst v63  }
0x107: {  	_ =	swait.ge [sflag:s5], $0x100  }
0x108: {  	s4 =	sadd.s32 $0xFFFFFFFF, s4;
	[sflag:s5] =	ssyncset.done $0x0  }
0x109: {  	p1 =	sne.s32 s4, $0x0;
	s28 =	sshrl.u32 @!p0 s2, $0x3;
	[sflag:s5] =	ssyncadd.s32 $0xFFFFFF00  }
0x10a: {  	s1 =	simm.s32 @!p0 $0x1C02;
	s29 =	simm.s32 @!p0 $0x1;
	[bflag:$0x0] =	sbarrier.arrive $0xFFFF  }
0x10b: {  	s30 =	simm.s32 @!p0 $0x20;
	s31 =	simm.s32 @!p0 $0x10;
	s26 =	rddreg [dreg:$0x7]  }
0x10c: {  	[hbm:s26@s30], [sflag:s1] =	dma.strided @!p0 [spmem:s28@s31], $0x400, s29, $0x10   }
.Ltmp0:
0x10d: {  	_ = 	snop;
	(pc) =	sbr.rel @p1 .LBB2_1-.Ltmp0, $4  }
0x10e: {  	s1 =	simm.s32 @!p0 $0x2  }
0x10f: {  	_ =	swait.ge @!p0 [sflag:s1], $0x400  }
0x110: {  	[sflag:s1] =	ssyncset.done @!p0 $0x0  }
0x111: {  	[sflag:s1] =	ssyncadd.s32 @!p0 $0xFFFFFC00  }
0x112: {  	_ =	sfence.sel $0x180000  }
0x113: {  	[bflag:$0x0] =	sbarrier.arrive $0xFFFF  }
0x114: {  	_ =	strace $0x90000047  }
0x115: {  	[bflag:$0x2] =	sbarrier.arrive $0xFFFF  }
0x116: {  	s0 =	rddreg [dreg:$0x3]  }
0x117: {  	s0 =	sadd.s32 @!p0 $0x100000, s0  }
0x118: {  	[sflag:s0] =	ssyncadd.tile.s32 @!p0 $0x1;
	_ =	shalt  }
.Lfunc_end2:
_tile_overlayer_lowered:
.L_overlay_start_2:
0x119: {  	(tag) =	ssettag $0x2  }
0x11a: {  	s0 =	rddreg [dreg:$0x0];
	s2 =	stileid.u32  }
0x11b: {  	s1 =	rddreg [dreg:$0x1];
	p0 =	sne.s32 s2, $0x0  }
0x11c: {  	s3 =	rddreg [dreg:$0x2];
	[bflag:$0x3] =	sbarrier.arrive $0xFFFF;
	s2 =	simm.s32 @!p0 $0x1C02  }
0x11d: {  	[timem:s3], [sflag:s2] =	dma.local @!p0 [hbm:s0], s1  }
0x11e: {  	s0 =	simm.s32 @!p0 $0x2  }
0x11f: {  	_ =	swait.ge @!p0 [sflag:s0], s1  }
0x120: {  	s1 =	ssub.s32 @!p0 $0x0, s1;
	[sflag:s0] =	ssyncset.done @!p0 $0x0  }
0x121: {  	[sflag:s0] =	ssyncadd.s32 @!p0 s1  }
0x122: {  	[bflag:$0x3] =	sbarrier.arrive $0xFFFF  }
0x123: {  	_ =	shalt  }

</sc_bundles>
